<compile_context>
chip_gen: v7x
topology: tpu7x:2x2x1
jax: 0.10.2.dev20260603
libtpu: 0.0.44.dev20260713+nightly
codegen_flags: <defaults>
</compile_context>

<pallas_src>
import functools

import jax
import jax.numpy as jnp
from jax import lax
from jax.experimental import pallas as pl
from jax.experimental.pallas import tpu as pltpu
from jax.experimental.pallas import tpu_sc as plsc

B, R, D = 8, 512, 2048
NC, NS, L = 2, 16, 16
NW = NC * NS
SPLIT_B = 4
ROWS_PER_W = SPLIT_B * R // NW
CH_ROWS = 8
NCHUNK = ROWS_PER_W // CH_ROWS
FLUSH = D // L
U = 8
NACC = 4

OFF = 0x3F3504F3
MANT = 0x007FFFFF
LN2 = 0.6931471805599453
PC = (
    3.340116233596646e-08,
    1.0000030976858798,
    -0.5000129266292395,
    0.3330481829008143,
    -0.24911238582365908,
    0.20611729025364062,
    -0.18627400748078068,
    0.11448230408745165,
)


def _split_em(x):
    b = lax.bitcast_convert_type(x, jnp.int32)
    d = b - OFF
    e = d >> 23
    m = lax.bitcast_convert_type((d & MANT) + OFF, jnp.float32)
    return e, m


def _ln(x):
    e, m = _split_em(x)
    f = m - jnp.float32(1.0)
    p = jnp.full((L,), PC[7], jnp.float32)
    for c in PC[6::-1]:
        p = p * f + jnp.float32(c)
    return e.astype(jnp.float32) * jnp.float32(LN2) + p


def _body(hard_hbm, soft_hbm, out_f,
          hbuf0, hbuf1, sbuf0, sbuf1, stf,
          semh0, semh1, sems0, sems1):
    wid = lax.axis_index("c") * NS + lax.axis_index("s")
    fr = wid * ROWS_PER_W
    bat = fr // R
    row0 = fr % R

    def start(c, hbuf, sbuf, semh, sems):
        r = row0 + c * CH_ROWS
        pltpu.async_copy(hard_hbm.at[bat, pl.ds(r, CH_ROWS)], hbuf, semh)
        pltpu.async_copy(soft_hbm.at[bat, pl.ds(r, CH_ROWS)], sbuf, sems)

    def wait(hbuf, sbuf, semh, sems):
        pltpu.make_async_copy(
            hard_hbm.at[0, pl.ds(0, CH_ROWS)], hbuf, semh).wait()
        pltpu.make_async_copy(
            soft_hbm.at[0, pl.ds(0, CH_ROWS)], sbuf, sems).wait()

    def compute_chunk(hbuf, sbuf, accs):
        def group(g, accs):
            accf, acces, acccs = accs

            def it(i, carry):
                prods, acces, acccs = carry
                off = i * (U * L)
                prods, acces, acccs = list(prods), list(acces), list(acccs)
                for u in range(U):
                    h = hbuf[g, pl.ds(off + u * L, L)]
                    x = sbuf[g, pl.ds(off + u * L, L)]
                    xs = jnp.where(h == 1, x, jnp.float32(1.0))
                    xc = jnp.maximum(xs, jnp.float32(1e-12))
                    e, m = _split_em(xc)
                    prods[u] = prods[u] * m
                    acces[u % NACC] = acces[u % NACC] + e
                    acccs[u % NACC] = acccs[u % NACC] + h
                return tuple(prods), tuple(acces), tuple(acccs)

            one = jnp.full((L,), 1.0, jnp.float32)
            prods, acces, acccs = lax.fori_loop(
                0, FLUSH // U, it, ((one,) * U, acces, acccs))
            ps = list(prods)
            while len(ps) > 1:
                ps = [ps[i] * ps[i + 1] for i in range(0, len(ps), 2)]
            accf = accf + _ln(ps[0])
            return accf, acces, acccs

        return lax.fori_loop(0, CH_ROWS, group, accs)

    start(0, hbuf0, sbuf0, semh0, sems0)
    start(1, hbuf1, sbuf1, semh1, sems1)

    def pair(j, accs):
        c0 = j * 2
        wait(hbuf0, sbuf0, semh0, sems0)
        accs = compute_chunk(hbuf0, sbuf0, accs)

        @pl.when(c0 + 2 < NCHUNK)
        def _():
            start(c0 + 2, hbuf0, sbuf0, semh0, sems0)

        wait(hbuf1, sbuf1, semh1, sems1)
        accs = compute_chunk(hbuf1, sbuf1, accs)

        @pl.when(c0 + 3 < NCHUNK)
        def _():
            start(c0 + 3, hbuf1, sbuf1, semh1, sems1)

        return accs

    zf = jnp.zeros((L,), jnp.float32)
    zi = jnp.zeros((L,), jnp.int32)
    accf, acces, acccs = lax.fori_loop(
        0, NCHUNK // 2, pair, (zf, (zi,) * NACC, (zi,) * NACC))

    acce = acces[0]
    accc = acccs[0]
    for a in range(1, NACC):
        acce = acce + acces[a]
        accc = accc + acccs[a]
    stf[pl.ds(0, L)] = accf
    stf[pl.ds(L, L)] = acce.astype(jnp.float32)
    stf[pl.ds(2 * L, L)] = accc.astype(jnp.float32)
    pltpu.sync_copy(stf, out_f.at[pl.ds(wid * 3 * L, 3 * L)])


@functools.partial(
    pl.kernel,
    out_type=jax.ShapeDtypeStruct((NW * 3 * L,), jnp.float32),
    mesh=plsc.VectorSubcoreMesh(core_axis_name="c", subcore_axis_name="s"),
    scratch_types=[
        pltpu.VMEM((CH_ROWS, D), jnp.int32),
        pltpu.VMEM((CH_ROWS, D), jnp.int32),
        pltpu.VMEM((CH_ROWS, D), jnp.float32),
        pltpu.VMEM((CH_ROWS, D), jnp.float32),
        pltpu.VMEM((3 * L,), jnp.float32),
        pltpu.SemaphoreType.DMA,
        pltpu.SemaphoreType.DMA,
        pltpu.SemaphoreType.DMA,
        pltpu.SemaphoreType.DMA,
    ],
)
def _bin_loss_partials(hard_hbm, soft_hbm, out_f, *rest):
    _body(hard_hbm, soft_hbm, out_f, *rest)


TC_BR = 512


def _tc_body(h_ref, s_ref, of_ref, oc_ref, af, ac):
    i = pl.program_id(0)

    @pl.when(i == 0)
    def _():
        af[...] = jnp.zeros_like(af)
        ac[...] = jnp.zeros_like(ac)

    h = h_ref[0]
    lv = jnp.log(jnp.maximum(s_ref[0], jnp.float32(1e-12)))
    masked = jnp.where(h == 1, lv, jnp.float32(0.0))
    af[...] += jnp.sum(masked, axis=0, keepdims=True)
    ac[...] += jnp.sum(h, axis=0, keepdims=True)

    @pl.when(i == pl.num_programs(0) - 1)
    def _():
        of_ref[0, 0] = jnp.sum(af[...])
        oc_ref[0, 0] = jnp.sum(ac[...])


_tc_partials = pl.pallas_call(
    _tc_body,
    grid=(B - SPLIT_B,),
    in_specs=[
        pl.BlockSpec((1, TC_BR, D), lambda i: (SPLIT_B + i, 0, 0)),
        pl.BlockSpec((1, TC_BR, D), lambda i: (SPLIT_B + i, 0, 0)),
    ],
    out_specs=[
        pl.BlockSpec(memory_space=pltpu.SMEM),
        pl.BlockSpec(memory_space=pltpu.SMEM),
    ],
    out_shape=[
        jax.ShapeDtypeStruct((1, 1), jnp.float32),
        jax.ShapeDtypeStruct((1, 1), jnp.int32),
    ],
    scratch_shapes=[
        pltpu.VMEM((1, D), jnp.float32),
        pltpu.VMEM((1, D), jnp.int32),
    ],
)


@jax.jit
def kernel(hard_attention, soft_attention):
    sc = _bin_loss_partials(hard_attention, soft_attention)
    tf, tc = _tc_partials(hard_attention, soft_attention)
    p = sc.reshape(NW, 3 * L).sum(axis=0)
    sc_log = p[:L].sum() + jnp.float32(LN2) * p[L:2 * L].sum()
    sc_cnt = p[2 * L:].sum()
    return -(sc_log + tf[0, 0]) / (sc_cnt + tc[0, 0].astype(jnp.float32))

# --- scband reference (transcript-rebuilt; emitter-appended) ---
"""Pipeline reference for scband-bin-loss-1486058684936 (READ-ONLY COPY).

The authoritative reference and input builder live on the scoring server;
editing this copy changes nothing except your own understanding.
"""

import jax, jax.numpy as jnp
import numpy as np


def setup_inputs(seed: int = 0) -> dict:
    key = jax.random.key(seed)
    k1, k2 = jax.random.split(key)
    hard_attention = jax.random.randint(k1, (8, 512, 2048), 0, 2, dtype=jnp.int64 if jax.config.jax_enable_x64 else jnp.int32).astype(jnp.int32)
    soft_attention = jax.random.uniform(k2, (8, 512, 2048), dtype=jnp.float32)
    return {"hard_attention": hard_attention, "soft_attention": soft_attention}


def reference(hard_attention, soft_attention):
    # log_sum = log(clamp(soft[hard==1], min=1e-12)).sum()
    mask = (hard_attention == 1)
    log_vals = jnp.log(jnp.clip(soft_attention, 1e-12))
    log_sum = jnp.where(mask, log_vals, 0.0).sum()
    return -log_sum / hard_attention.sum()

if __name__ == "__main__":
    import jax
    _d = setup_inputs()
    print(jax.jit(kernel)(*tuple(_d.values())))

</pallas_src>

<mosaic_0001>
#map = affine_map<(d0, d1) -> (0, 0, 0)>
#map1 = affine_map<(d0, d1) -> (0)>
module attributes {stable_mosaic.version = 14 : i64} {
  func.func @_bin_loss_partials(%arg0: i32, %arg1: i32, %arg2: memref<8x512x2048xi32, #tpu.memory_space<hbm>>, %arg3: memref<8x512x2048xf32, #tpu.memory_space<hbm>>, %arg4: memref<1536xf32, #tpu.memory_space<hbm>>, %arg5: memref<8x2048xi32, #tpu.memory_space<vmem>>, %arg6: memref<8x2048xi32, #tpu.memory_space<vmem>>, %arg7: memref<8x2048xf32, #tpu.memory_space<vmem>>, %arg8: memref<8x2048xf32, #tpu.memory_space<vmem>>, %arg9: memref<48xf32, #tpu.memory_space<vmem>>, %arg10: memref<!tpu.dma_semaphore, #tpu.memory_space<semaphore_mem>>, %arg11: memref<!tpu.dma_semaphore, #tpu.memory_space<semaphore_mem>>, %arg12: memref<!tpu.dma_semaphore, #tpu.memory_space<semaphore_mem>>, %arg13: memref<!tpu.dma_semaphore, #tpu.memory_space<semaphore_mem>>) attributes {dimension_semantics = [#tpu.dimension_semantics<core_parallel>, #tpu.dimension_semantics<subcore_parallel>], iteration_bounds = array<i64: 2, 16>, scalar_prefetch = 0 : i64, scratch_operands = 9 : i64, tpu.core_type = #tpu.core_type<sc_vector_subcore>, window_params = [{transform_indices = #map}, {transform_indices = #map}, {transform_indices = #map1}]} {
    %mul3A = arith.constant 16 : i32
    %mul3A_0 = arith.muli %arg0, %mul3A : i32
    %add3A = arith.addi %mul3A_0, %arg1 : i32
    %mul3A_1 = arith.constant 64 : i32
    %mul3A_2 = arith.muli %add3A, %mul3A_1 : i32
    %jit3A = arith.constant 512 : i32
    %div3A = arith.divsi %mul3A_2, %jit3A : i32
    %sign3A = arith.constant 0 : i32
    %sign3A_3 = arith.cmpi sgt, %mul3A_2, %sign3A : i32
    %sign3A_4 = arith.extui %sign3A_3 : i1 to i32
    %sign3A_5 = arith.constant 0 : i32
    %sign3A_6 = arith.cmpi slt, %mul3A_2, %sign3A_5 : i32
    %sign3A_7 = arith.extui %sign3A_6 : i1 to i32
    %sign3A_8 = arith.subi %sign3A_4, %sign3A_7 : i32
    %sign3A_9 = arith.constant 0 : i32
    %sign3A_10 = arith.cmpi sgt, %jit3A, %sign3A_9 : i32
    %sign3A_11 = arith.extui %sign3A_10 : i1 to i32
    %sign3A_12 = arith.constant 0 : i32
    %sign3A_13 = arith.cmpi slt, %jit3A, %sign3A_12 : i32
    %sign3A_14 = arith.extui %sign3A_13 : i1 to i32
    %sign3A_15 = arith.subi %sign3A_11, %sign3A_14 : i32
    %ne3A = arith.cmpi ne, %sign3A_8, %sign3A_15 : i32
    %rem3A = arith.remsi %mul3A_2, %jit3A : i32
    %ne3A_16 = arith.constant 0 : i32
    %ne3A_17 = arith.cmpi ne, %rem3A, %ne3A_16 : i32
    %and3A = arith.andi %ne3A, %ne3A_17 : i1
    %sub3A = arith.constant 1 : i32
    %sub3A_18 = arith.subi %div3A, %sub3A : i32
    %select_n3A = arith.select %and3A, %sub3A_18, %div3A : i32
    %jit3A_19 = arith.constant 512 : i32
    %eq3A = arith.constant 0 : i32
    %eq3A_20 = arith.cmpi eq, %jit3A_19, %eq3A : i32
    %jit3A_21 = arith.constant 1 : i32
    %select_n3A_22 = arith.select %eq3A_20, %jit3A_21, %jit3A_19 : i32
    %rem3A_23 = arith.remsi %mul3A_2, %select_n3A_22 : i32
    %ne3A_24 = arith.constant 0 : i32
    %ne3A_25 = arith.cmpi ne, %rem3A_23, %ne3A_24 : i32
    %lt3A = arith.constant 0 : i32
    %lt3A_26 = arith.cmpi slt, %rem3A_23, %lt3A : i32
    %lt3A_27 = arith.constant 0 : i32
    %lt3A_28 = arith.cmpi slt, %select_n3A_22, %lt3A_27 : i32
    %ne3A_29 = arith.xori %lt3A_26, %lt3A_28 : i1
    %and3A_30 = arith.andi %ne3A_29, %ne3A_25 : i1
    %add3A_31 = arith.addi %rem3A_23, %select_n3A_22 : i32
    %select_n3A_32 = arith.select %and3A_30, %add3A_31, %rem3A_23 : i32
    %add3A_33 = arith.constant 0 : i32
    %add3A_34 = arith.addi %select_n3A_32, %add3A_33 : i32
    %dma_start3A = arith.constant 0 : i32
    %dma_start3A_35 = tpu.memref_slice %arg2[%select_n3A, %add3A_34, %dma_start3A] : memref<8x512x2048xi32, #tpu.memory_space<hbm>> -> memref<1x8x2048xi32, #tpu.memory_space<hbm>>
    %dma_start3A_36 = tpu.memref_squeeze %dma_start3A_35 : memref<1x8x2048xi32, #tpu.memory_space<hbm>> -> memref<8x2048xi32, #tpu.memory_space<hbm>>
    %dma_start3A_37 = arith.constant 0 : i32
    %dma_start3A_38 = tpu.memref_slice %arg2[%select_n3A, %add3A_34, %dma_start3A_37] : memref<8x512x2048xi32, #tpu.memory_space<hbm>> -> memref<1x8x2048xi32, #tpu.memory_space<hbm>>
    %dma_start3A_39 = tpu.memref_squeeze %dma_start3A_38 : memref<1x8x2048xi32, #tpu.memory_space<hbm>> -> memref<8x2048xi32, #tpu.memory_space<hbm>>
    tpu.enqueue_dma source(%dma_start3A_39 : memref<8x2048xi32, #tpu.memory_space<hbm>>) target(%arg5 : memref<8x2048xi32, #tpu.memory_space<vmem>>) target_semaphore(%arg10 : memref<!tpu.dma_semaphore, #tpu.memory_space<semaphore_mem>>)
    %dma_start3A_40 = arith.constant 0 : i32
    %dma_start3A_41 = tpu.memref_slice %arg3[%select_n3A, %add3A_34, %dma_start3A_40] : memref<8x512x2048xf32, #tpu.memory_space<hbm>> -> memref<1x8x2048xf32, #tpu.memory_space<hbm>>
    %dma_start3A_42 = tpu.memref_squeeze %dma_start3A_41 : memref<1x8x2048xf32, #tpu.memory_space<hbm>> -> memref<8x2048xf32, #tpu.memory_space<hbm>>
    %dma_start3A_43 = arith.constant 0 : i32
    %dma_start3A_44 = tpu.memref_slice %arg3[%select_n3A, %add3A_34, %dma_start3A_43] : memref<8x512x2048xf32, #tpu.memory_space<hbm>> -> memref<1x8x2048xf32, #tpu.memory_space<hbm>>
    %dma_start3A_45 = tpu.memref_squeeze %dma_start3A_44 : memref<1x8x2048xf32, #tpu.memory_space<hbm>> -> memref<8x2048xf32, #tpu.memory_space<hbm>>
    tpu.enqueue_dma source(%dma_start3A_45 : memref<8x2048xf32, #tpu.memory_space<hbm>>) target(%arg7 : memref<8x2048xf32, #tpu.memory_space<vmem>>) target_semaphore(%arg12 : memref<!tpu.dma_semaphore, #tpu.memory_space<semaphore_mem>>)
    %add3A_46 = arith.constant 8 : i32
    %add3A_47 = arith.addi %select_n3A_32, %add3A_46 : i32
    %dma_start3A_48 = arith.constant 0 : i32
    %dma_start3A_49 = tpu.memref_slice %arg2[%select_n3A, %add3A_47, %dma_start3A_48] : memref<8x512x2048xi32, #tpu.memory_space<hbm>> -> memref<1x8x2048xi32, #tpu.memory_space<hbm>>
    %dma_start3A_50 = tpu.memref_squeeze %dma_start3A_49 : memref<1x8x2048xi32, #tpu.memory_space<hbm>> -> memref<8x2048xi32, #tpu.memory_space<hbm>>
    %dma_start3A_51 = arith.constant 0 : i32
    %dma_start3A_52 = tpu.memref_slice %arg2[%select_n3A, %add3A_47, %dma_start3A_51] : memref<8x512x2048xi32, #tpu.memory_space<hbm>> -> memref<1x8x2048xi32, #tpu.memory_space<hbm>>
    %dma_start3A_53 = tpu.memref_squeeze %dma_start3A_52 : memref<1x8x2048xi32, #tpu.memory_space<hbm>> -> memref<8x2048xi32, #tpu.memory_space<hbm>>
    tpu.enqueue_dma source(%dma_start3A_53 : memref<8x2048xi32, #tpu.memory_space<hbm>>) target(%arg6 : memref<8x2048xi32, #tpu.memory_space<vmem>>) target_semaphore(%arg11 : memref<!tpu.dma_semaphore, #tpu.memory_space<semaphore_mem>>)
    %dma_start3A_54 = arith.constant 0 : i32
    %dma_start3A_55 = tpu.memref_slice %arg3[%select_n3A, %add3A_47, %dma_start3A_54] : memref<8x512x2048xf32, #tpu.memory_space<hbm>> -> memref<1x8x2048xf32, #tpu.memory_space<hbm>>
    %dma_start3A_56 = tpu.memref_squeeze %dma_start3A_55 : memref<1x8x2048xf32, #tpu.memory_space<hbm>> -> memref<8x2048xf32, #tpu.memory_space<hbm>>
    %dma_start3A_57 = arith.constant 0 : i32
    %dma_start3A_58 = tpu.memref_slice %arg3[%select_n3A, %add3A_47, %dma_start3A_57] : memref<8x512x2048xf32, #tpu.memory_space<hbm>> -> memref<1x8x2048xf32, #tpu.memory_space<hbm>>
    %dma_start3A_59 = tpu.memref_squeeze %dma_start3A_58 : memref<1x8x2048xf32, #tpu.memory_space<hbm>> -> memref<8x2048xf32, #tpu.memory_space<hbm>>
    tpu.enqueue_dma source(%dma_start3A_59 : memref<8x2048xf32, #tpu.memory_space<hbm>>) target(%arg8 : memref<8x2048xf32, #tpu.memory_space<vmem>>) target_semaphore(%arg13 : memref<!tpu.dma_semaphore, #tpu.memory_space<semaphore_mem>>)
    %broadcast_in_dim3A = arith.constant 0.000000e+00 : f32
    %broadcast_in_dim3A_60 = vector.broadcast %broadcast_in_dim3A : f32 to vector<16xf32>
    %broadcast_in_dim3A_61 = arith.constant 0 : i32
    %broadcast_in_dim3A_62 = vector.broadcast %broadcast_in_dim3A_61 : i32 to vector<16xi32>
    %scan3A = arith.constant 0 : i32
    %scan3A_63 = arith.constant 4 : i32
    %scan3A_64 = arith.addi %scan3A, %scan3A_63 : i32
    %scan3A_65 = arith.constant 1 : i32
    %scan3A_66:9 = scf.for %scan3A_90 = %scan3A to %scan3A_64 step %scan3A_65 iter_args(%scan3A_91 = %broadcast_in_dim3A_60, %scan3A_92 = %broadcast_in_dim3A_62, %scan3A_93 = %broadcast_in_dim3A_62, %scan3A_94 = %broadcast_in_dim3A_62, %scan3A_95 = %broadcast_in_dim3A_62, %scan3A_96 = %broadcast_in_dim3A_62, %scan3A_97 = %broadcast_in_dim3A_62, %scan3A_98 = %broadcast_in_dim3A_62, %scan3A_99 = %broadcast_in_dim3A_62) -> (vector<16xf32>, vector<16xi32>, vector<16xi32>, vector<16xi32>, vector<16xi32>, vector<16xi32>, vector<16xi32>, vector<16xi32>, vector<16xi32>)  : i32 {
      %mul3A_100 = arith.constant 2 : i32
      %mul3A_101 = arith.muli %scan3A_90, %mul3A_100 : i32
      %dma_wait3A = arith.constant 0 : i32
      %dma_wait3A_102 = arith.constant 0 : i32
      %dma_wait3A_103 = arith.constant 0 : i32
      %dma_wait3A_104 = tpu.memref_slice %arg2[%dma_wait3A, %dma_wait3A_102, %dma_wait3A_103] : memref<8x512x2048xi32, #tpu.memory_space<hbm>> -> memref<1x8x2048xi32, #tpu.memory_space<hbm>>
      %dma_wait3A_105 = tpu.memref_squeeze %dma_wait3A_104 : memref<1x8x2048xi32, #tpu.memory_space<hbm>> -> memref<8x2048xi32, #tpu.memory_space<hbm>>
      %dma_wait3A_106 = arith.constant 0 : i32
      %dma_wait3A_107 = arith.constant 0 : i32
      %dma_wait3A_108 = tpu.memref_slice %arg2[%dma_wait3A, %dma_wait3A_106, %dma_wait3A_107] : memref<8x512x2048xi32, #tpu.memory_space<hbm>> -> memref<1x8x2048xi32, #tpu.memory_space<hbm>>
      %dma_wait3A_109 = tpu.memref_squeeze %dma_wait3A_108 : memref<1x8x2048xi32, #tpu.memory_space<hbm>> -> memref<8x2048xi32, #tpu.memory_space<hbm>>
      tpu.wait_dma2 semaphore(%arg10 : memref<!tpu.dma_semaphore, #tpu.memory_space<semaphore_mem>>) src(%dma_wait3A_109 : memref<8x2048xi32, #tpu.memory_space<hbm>>) dst(%arg5 : memref<8x2048xi32, #tpu.memory_space<vmem>>)
      %dma_wait3A_110 = arith.constant 0 : i32
      %dma_wait3A_111 = arith.constant 0 : i32
      %dma_wait3A_112 = arith.constant 0 : i32
      %dma_wait3A_113 = tpu.memref_slice %arg3[%dma_wait3A_110, %dma_wait3A_111, %dma_wait3A_112] : memref<8x512x2048xf32, #tpu.memory_space<hbm>> -> memref<1x8x2048xf32, #tpu.memory_space<hbm>>
      %dma_wait3A_114 = tpu.memref_squeeze %dma_wait3A_113 : memref<1x8x2048xf32, #tpu.memory_space<hbm>> -> memref<8x2048xf32, #tpu.memory_space<hbm>>
      %dma_wait3A_115 = arith.constant 0 : i32
      %dma_wait3A_116 = arith.constant 0 : i32
      %dma_wait3A_117 = tpu.memref_slice %arg3[%dma_wait3A_110, %dma_wait3A_115, %dma_wait3A_116] : memref<8x512x2048xf32, #tpu.memory_space<hbm>> -> memref<1x8x2048xf32, #tpu.memory_space<hbm>>
      %dma_wait3A_118 = tpu.memref_squeeze %dma_wait3A_117 : memref<1x8x2048xf32, #tpu.memory_space<hbm>> -> memref<8x2048xf32, #tpu.memory_space<hbm>>
      tpu.wait_dma2 semaphore(%arg12 : memref<!tpu.dma_semaphore, #tpu.memory_space<semaphore_mem>>) src(%dma_wait3A_118 : memref<8x2048xf32, #tpu.memory_space<hbm>>) dst(%arg7 : memref<8x2048xf32, #tpu.memory_space<vmem>>)
      %scan3A_119 = arith.constant 0 : i32
      %scan3A_120 = arith.constant 8 : i32
      %scan3A_121 = arith.addi %scan3A_119, %scan3A_120 : i32
      %scan3A_122 = arith.constant 1 : i32
      %scan3A_123:9 = scf.for %scan3A_162 = %scan3A_119 to %scan3A_121 step %scan3A_122 iter_args(%scan3A_163 = %scan3A_91, %scan3A_164 = %scan3A_92, %scan3A_165 = %scan3A_93, %scan3A_166 = %scan3A_94, %scan3A_167 = %scan3A_95, %scan3A_168 = %scan3A_96, %scan3A_169 = %scan3A_97, %scan3A_170 = %scan3A_98, %scan3A_171 = %scan3A_99) -> (vector<16xf32>, vector<16xi32>, vector<16xi32>, vector<16xi32>, vector<16xi32>, vector<16xi32>, vector<16xi32>, vector<16xi32>, vector<16xi32>)  : i32 {
        %broadcast_in_dim3A_172 = arith.constant 1.000000e+00 : f32
        %broadcast_in_dim3A_173 = vector.broadcast %broadcast_in_dim3A_172 : f32 to vector<16xf32>
        %scan3A_174 = arith.constant 0 : i32
        %scan3A_175 = arith.constant 16 : i32
        %scan3A_176 = arith.addi %scan3A_174, %scan3A_175 : i32
        %scan3A_177 = arith.constant 1 : i32
        %scan3A_178:16 = scf.for %scan3A_238 = %scan3A_174 to %scan3A_176 step %scan3A_177 iter_args(%scan3A_239 = %broadcast_in_dim3A_173, %scan3A_240 = %broadcast_in_dim3A_173, %scan3A_241 = %broadcast_in_dim3A_173, %scan3A_242 = %broadcast_in_dim3A_173, %scan3A_243 = %broadcast_in_dim3A_173, %scan3A_244 = %broadcast_in_dim3A_173, %scan3A_245 = %broadcast_in_dim3A_173, %scan3A_246 = %broadcast_in_dim3A_173, %scan3A_247 = %scan3A_164, %scan3A_248 = %scan3A_165, %scan3A_249 = %scan3A_166, %scan3A_250 = %scan3A_167, %scan3A_251 = %scan3A_168, %scan3A_252 = %scan3A_169, %scan3A_253 = %scan3A_170, %scan3A_254 = %scan3A_171) -> (vector<16xf32>, vector<16xf32>, vector<16xf32>, vector<16xf32>, vector<16xf32>, vector<16xf32>, vector<16xf32>, vector<16xf32>, vector<16xi32>, vector<16xi32>, vector<16xi32>, vector<16xi32>, vector<16xi32>, vector<16xi32>, vector<16xi32>, vector<16xi32>)  : i32 {
          %mul3A_255 = arith.constant 128 : i32
          %mul3A_256 = arith.muli %scan3A_238, %mul3A_255 : i32
          %add3A_257 = arith.constant 0 : i32
          %add3A_258 = arith.addi %mul3A_256, %add3A_257 : i32
          %get3A = arith.index_cast %scan3A_162 : i32 to index
          %get3A_259 = arith.index_cast %add3A_258 : i32 to index
          %get3A_260 = tpu.vector_load %arg5[%get3A, %get3A_259] {strides = array<i32>} : memref<8x2048xi32, #tpu.memory_space<vmem>>, vector<1x16xi32>,
          %get3A_261 = vector.shape_cast %get3A_260 : vector<1x16xi32> to vector<16xi32>
          %add3A_262 = arith.constant 0 : i32
          %add3A_263 = arith.addi %mul3A_256, %add3A_262 : i32
          %get3A_264 = arith.index_cast %scan3A_162 : i32 to index
          %get3A_265 = arith.index_cast %add3A_263 : i32 to index
          %get3A_266 = tpu.vector_load %arg7[%get3A_264, %get3A_265] {strides = array<i32>} : memref<8x2048xf32, #tpu.memory_space<vmem>>, vector<1x16xf32>,
          %get3A_267 = vector.shape_cast %get3A_266 : vector<1x16xf32> to vector<16xf32>
          %eq3A_268 = arith.constant 1 : i32
          %eq3A_269 = vector.broadcast %eq3A_268 : i32 to vector<16xi32>
          %eq3A_270 = arith.cmpi eq, %get3A_261, %eq3A_269 : vector<16xi32>
          %jit3A_271 = arith.constant 1.000000e+00 : f32
          %broadcast_in_dim3A_272 = vector.broadcast %jit3A_271 : f32 to vector<16xf32>
          %select_n3A_273 = arith.select %eq3A_270, %get3A_267, %broadcast_in_dim3A_272 : vector<16xi1>, vector<16xf32>
          %max3A = arith.constant 9.99999996E-13 : f32
          %max3A_274 = vector.broadcast %max3A : f32 to vector<16xf32>
          %max3A_275 = arith.maximumf %select_n3A_273, %max3A_274 : vector<16xf32>
          %bitcast_convert_type3A_276 = tpu.bitcast %max3A_275 : vector<16xf32> -> vector<16xi32>
          %sub3A_277 = arith.constant 1060439283 : i32
          %sub3A_278 = vector.broadcast %sub3A_277 : i32 to vector<16xi32>
          %sub3A_279 = arith.subi %bitcast_convert_type3A_276, %sub3A_278 : vector<16xi32>
          %shift_right_arithmetic3A_280 = arith.constant 23 : i32
          %shift_right_arithmetic3A_281 = vector.broadcast %shift_right_arithmetic3A_280 : i32 to vector<16xi32>
          %shift_right_arithmetic3A_282 = arith.shrsi %sub3A_279, %shift_right_arithmetic3A_281 : vector<16xi32>
          %and3A_283 = arith.constant 8388607 : i32
          %and3A_284 = vector.broadcast %and3A_283 : i32 to vector<16xi32>
          %and3A_285 = arith.andi %sub3A_279, %and3A_284 : vector<16xi32>
          %add3A_286 = arith.constant 1060439283 : i32
          %add3A_287 = vector.broadcast %add3A_286 : i32 to vector<16xi32>
          %add3A_288 = arith.addi %and3A_285, %add3A_287 : vector<16xi32>
          %bitcast_convert_type3A_289 = tpu.bitcast %add3A_288 : vector<16xi32> -> vector<16xf32>
          %mul3A_290 = arith.mulf %scan3A_239, %bitcast_convert_type3A_289 : vector<16xf32>
          %add3A_291 = arith.addi %scan3A_247, %shift_right_arithmetic3A_282 : vector<16xi32>
          %add3A_292 = arith.addi %scan3A_251, %get3A_261 : vector<16xi32>
          %add3A_293 = arith.constant 16 : i32
          %add3A_294 = arith.addi %mul3A_256, %add3A_293 : i32
          %get3A_295 = arith.index_cast %scan3A_162 : i32 to index
          %get3A_296 = arith.index_cast %add3A_294 : i32 to index
          %get3A_297 = tpu.vector_load %arg5[%get3A_295, %get3A_296] {strides = array<i32>} : memref<8x2048xi32, #tpu.memory_space<vmem>>, vector<1x16xi32>,
          %get3A_298 = vector.shape_cast %get3A_297 : vector<1x16xi32> to vector<16xi32>
          %add3A_299 = arith.constant 16 : i32
          %add3A_300 = arith.addi %mul3A_256, %add3A_299 : i32
          %get3A_301 = arith.index_cast %scan3A_162 : i32 to index
          %get3A_302 = arith.index_cast %add3A_300 : i32 to index
          %get3A_303 = tpu.vector_load %arg7[%get3A_301, %get3A_302] {strides = array<i32>} : memref<8x2048xf32, #tpu.memory_space<vmem>>, vector<1x16xf32>,
          %get3A_304 = vector.shape_cast %get3A_303 : vector<1x16xf32> to vector<16xf32>
          %eq3A_305 = arith.constant 1 : i32
          %eq3A_306 = vector.broadcast %eq3A_305 : i32 to vector<16xi32>
          %eq3A_307 = arith.cmpi eq, %get3A_298, %eq3A_306 : vector<16xi32>
          %jit3A_308 = arith.constant 1.000000e+00 : f32
          %broadcast_in_dim3A_309 = vector.broadcast %jit3A_308 : f32 to vector<16xf32>
          %select_n3A_310 = arith.select %eq3A_307, %get3A_304, %broadcast_in_dim3A_309 : vector<16xi1>, vector<16xf32>
          %max3A_311 = arith.constant 9.99999996E-13 : f32
          %max3A_312 = vector.broadcast %max3A_311 : f32 to vector<16xf32>
          %max3A_313 = arith.maximumf %select_n3A_310, %max3A_312 : vector<16xf32>
          %bitcast_convert_type3A_314 = tpu.bitcast %max3A_313 : vector<16xf32> -> vector<16xi32>
          %sub3A_315 = arith.constant 1060439283 : i32
          %sub3A_316 = vector.broadcast %sub3A_315 : i32 to vector<16xi32>
          %sub3A_317 = arith.subi %bitcast_convert_type3A_314, %sub3A_316 : vector<16xi32>
          %shift_right_arithmetic3A_318 = arith.constant 23 : i32
          %shift_right_arithmetic3A_319 = vector.broadcast %shift_right_arithmetic3A_318 : i32 to vector<16xi32>
          %shift_right_arithmetic3A_320 = arith.shrsi %sub3A_317, %shift_right_arithmetic3A_319 : vector<16xi32>
          %and3A_321 = arith.constant 8388607 : i32
          %and3A_322 = vector.broadcast %and3A_321 : i32 to vector<16xi32>
          %and3A_323 = arith.andi %sub3A_317, %and3A_322 : vector<16xi32>
          %add3A_324 = arith.constant 1060439283 : i32
          %add3A_325 = vector.broadcast %add3A_324 : i32 to vector<16xi32>
          %add3A_326 = arith.addi %and3A_323, %add3A_325 : vector<16xi32>
          %bitcast_convert_type3A_327 = tpu.bitcast %add3A_326 : vector<16xi32> -> vector<16xf32>
          %mul3A_328 = arith.mulf %scan3A_240, %bitcast_convert_type3A_327 : vector<16xf32>
          %add3A_329 = arith.addi %scan3A_248, %shift_right_arithmetic3A_320 : vector<16xi32>
          %add3A_330 = arith.addi %scan3A_252, %get3A_298 : vector<16xi32>
          %add3A_331 = arith.constant 32 : i32
          %add3A_332 = arith.addi %mul3A_256, %add3A_331 : i32
          %get3A_333 = arith.index_cast %scan3A_162 : i32 to index
          %get3A_334 = arith.index_cast %add3A_332 : i32 to index
          %get3A_335 = tpu.vector_load %arg5[%get3A_333, %get3A_334] {strides = array<i32>} : memref<8x2048xi32, #tpu.memory_space<vmem>>, vector<1x16xi32>,
          %get3A_336 = vector.shape_cast %get3A_335 : vector<1x16xi32> to vector<16xi32>
          %add3A_337 = arith.constant 32 : i32
          %add3A_338 = arith.addi %mul3A_256, %add3A_337 : i32
          %get3A_339 = arith.index_cast %scan3A_162 : i32 to index
          %get3A_340 = arith.index_cast %add3A_338 : i32 to index
          %get3A_341 = tpu.vector_load %arg7[%get3A_339, %get3A_340] {strides = array<i32>} : memref<8x2048xf32, #tpu.memory_space<vmem>>, vector<1x16xf32>,
          %get3A_342 = vector.shape_cast %get3A_341 : vector<1x16xf32> to vector<16xf32>
          %eq3A_343 = arith.constant 1 : i32
          %eq3A_344 = vector.broadcast %eq3A_343 : i32 to vector<16xi32>
          %eq3A_345 = arith.cmpi eq, %get3A_336, %eq3A_344 : vector<16xi32>
          %jit3A_346 = arith.constant 1.000000e+00 : f32
          %broadcast_in_dim3A_347 = vector.broadcast %jit3A_346 : f32 to vector<16xf32>
          %select_n3A_348 = arith.select %eq3A_345, %get3A_342, %broadcast_in_dim3A_347 : vector<16xi1>, vector<16xf32>
          %max3A_349 = arith.constant 9.99999996E-13 : f32
          %max3A_350 = vector.broadcast %max3A_349 : f32 to vector<16xf32>
          %max3A_351 = arith.maximumf %select_n3A_348, %max3A_350 : vector<16xf32>
          %bitcast_convert_type3A_352 = tpu.bitcast %max3A_351 : vector<16xf32> -> vector<16xi32>
          %sub3A_353 = arith.constant 1060439283 : i32
          %sub3A_354 = vector.broadcast %sub3A_353 : i32 to vector<16xi32>
          %sub3A_355 = arith.subi %bitcast_convert_type3A_352, %sub3A_354 : vector<16xi32>
          %shift_right_arithmetic3A_356 = arith.constant 23 : i32
          %shift_right_arithmetic3A_357 = vector.broadcast %shift_right_arithmetic3A_356 : i32 to vector<16xi32>
          %shift_right_arithmetic3A_358 = arith.shrsi %sub3A_355, %shift_right_arithmetic3A_357 : vector<16xi32>
          %and3A_359 = arith.constant 8388607 : i32
          %and3A_360 = vector.broadcast %and3A_359 : i32 to vector<16xi32>
          %and3A_361 = arith.andi %sub3A_355, %and3A_360 : vector<16xi32>
          %add3A_362 = arith.constant 1060439283 : i32
          %add3A_363 = vector.broadcast %add3A_362 : i32 to vector<16xi32>
          %add3A_364 = arith.addi %and3A_361, %add3A_363 : vector<16xi32>
          %bitcast_convert_type3A_365 = tpu.bitcast %add3A_364 : vector<16xi32> -> vector<16xf32>
          %mul3A_366 = arith.mulf %scan3A_241, %bitcast_convert_type3A_365 : vector<16xf32>
          %add3A_367 = arith.addi %scan3A_249, %shift_right_arithmetic3A_358 : vector<16xi32>
          %add3A_368 = arith.addi %scan3A_253, %get3A_336 : vector<16xi32>
          %add3A_369 = arith.constant 48 : i32
          %add3A_370 = arith.addi %mul3A_256, %add3A_369 : i32
          %get3A_371 = arith.index_cast %scan3A_162 : i32 to index
          %get3A_372 = arith.index_cast %add3A_370 : i32 to index
          %get3A_373 = tpu.vector_load %arg5[%get3A_371, %get3A_372] {strides = array<i32>} : memref<8x2048xi32, #tpu.memory_space<vmem>>, vector<1x16xi32>,
          %get3A_374 = vector.shape_cast %get3A_373 : vector<1x16xi32> to vector<16xi32>
          %add3A_375 = arith.constant 48 : i32
          %add3A_376 = arith.addi %mul3A_256, %add3A_375 : i32
          %get3A_377 = arith.index_cast %scan3A_162 : i32 to index
          %get3A_378 = arith.index_cast %add3A_376 : i32 to index
          %get3A_379 = tpu.vector_load %arg7[%get3A_377, %get3A_378] {strides = array<i32>} : memref<8x2048xf32, #tpu.memory_space<vmem>>, vector<1x16xf32>,
          %get3A_380 = vector.shape_cast %get3A_379 : vector<1x16xf32> to vector<16xf32>
          %eq3A_381 = arith.constant 1 : i32
          %eq3A_382 = vector.broadcast %eq3A_381 : i32 to vector<16xi32>
          %eq3A_383 = arith.cmpi eq, %get3A_374, %eq3A_382 : vector<16xi32>
          %jit3A_384 = arith.constant 1.000000e+00 : f32
          %broadcast_in_dim3A_385 = vector.broadcast %jit3A_384 : f32 to vector<16xf32>
          %select_n3A_386 = arith.select %eq3A_383, %get3A_380, %broadcast_in_dim3A_385 : vector<16xi1>, vector<16xf32>
          %max3A_387 = arith.constant 9.99999996E-13 : f32
          %max3A_388 = vector.broadcast %max3A_387 : f32 to vector<16xf32>
          %max3A_389 = arith.maximumf %select_n3A_386, %max3A_388 : vector<16xf32>
          %bitcast_convert_type3A_390 = tpu.bitcast %max3A_389 : vector<16xf32> -> vector<16xi32>
          %sub3A_391 = arith.constant 1060439283 : i32
          %sub3A_392 = vector.broadcast %sub3A_391 : i32 to vector<16xi32>
          %sub3A_393 = arith.subi %bitcast_convert_type3A_390, %sub3A_392 : vector<16xi32>
          %shift_right_arithmetic3A_394 = arith.constant 23 : i32
          %shift_right_arithmetic3A_395 = vector.broadcast %shift_right_arithmetic3A_394 : i32 to vector<16xi32>
          %shift_right_arithmetic3A_396 = arith.shrsi %sub3A_393, %shift_right_arithmetic3A_395 : vector<16xi32>
          %and3A_397 = arith.constant 8388607 : i32
          %and3A_398 = vector.broadcast %and3A_397 : i32 to vector<16xi32>
          %and3A_399 = arith.andi %sub3A_393, %and3A_398 : vector<16xi32>
          %add3A_400 = arith.constant 1060439283 : i32
          %add3A_401 = vector.broadcast %add3A_400 : i32 to vector<16xi32>
          %add3A_402 = arith.addi %and3A_399, %add3A_401 : vector<16xi32>
          %bitcast_convert_type3A_403 = tpu.bitcast %add3A_402 : vector<16xi32> -> vector<16xf32>
          %mul3A_404 = arith.mulf %scan3A_242, %bitcast_convert_type3A_403 : vector<16xf32>
          %add3A_405 = arith.addi %scan3A_250, %shift_right_arithmetic3A_396 : vector<16xi32>
          %add3A_406 = arith.addi %scan3A_254, %get3A_374 : vector<16xi32>
          %add3A_407 = arith.constant 64 : i32
          %add3A_408 = arith.addi %mul3A_256, %add3A_407 : i32
          %get3A_409 = arith.index_cast %scan3A_162 : i32 to index
          %get3A_410 = arith.index_cast %add3A_408 : i32 to index
          %get3A_411 = tpu.vector_load %arg5[%get3A_409, %get3A_410] {strides = array<i32>} : memref<8x2048xi32, #tpu.memory_space<vmem>>, vector<1x16xi32>,
          %get3A_412 = vector.shape_cast %get3A_411 : vector<1x16xi32> to vector<16xi32>
          %add3A_413 = arith.constant 64 : i32
          %add3A_414 = arith.addi %mul3A_256, %add3A_413 : i32
          %get3A_415 = arith.index_cast %scan3A_162 : i32 to index
          %get3A_416 = arith.index_cast %add3A_414 : i32 to index
          %get3A_417 = tpu.vector_load %arg7[%get3A_415, %get3A_416] {strides = array<i32>} : memref<8x2048xf32, #tpu.memory_space<vmem>>, vector<1x16xf32>,
          %get3A_418 = vector.shape_cast %get3A_417 : vector<1x16xf32> to vector<16xf32>
          %eq3A_419 = arith.constant 1 : i32
          %eq3A_420 = vector.broadcast %eq3A_419 : i32 to vector<16xi32>
          %eq3A_421 = arith.cmpi eq, %get3A_412, %eq3A_420 : vector<16xi32>
          %jit3A_422 = arith.constant 1.000000e+00 : f32
          %broadcast_in_dim3A_423 = vector.broadcast %jit3A_422 : f32 to vector<16xf32>
          %select_n3A_424 = arith.select %eq3A_421, %get3A_418, %broadcast_in_dim3A_423 : vector<16xi1>, vector<16xf32>
          %max3A_425 = arith.constant 9.99999996E-13 : f32
          %max3A_426 = vector.broadcast %max3A_425 : f32 to vector<16xf32>
          %max3A_427 = arith.maximumf %select_n3A_424, %max3A_426 : vector<16xf32>
          %bitcast_convert_type3A_428 = tpu.bitcast %max3A_427 : vector<16xf32> -> vector<16xi32>
          %sub3A_429 = arith.constant 1060439283 : i32
          %sub3A_430 = vector.broadcast %sub3A_429 : i32 to vector<16xi32>
          %sub3A_431 = arith.subi %bitcast_convert_type3A_428, %sub3A_430 : vector<16xi32>
          %shift_right_arithmetic3A_432 = arith.constant 23 : i32
          %shift_right_arithmetic3A_433 = vector.broadcast %shift_right_arithmetic3A_432 : i32 to vector<16xi32>
          %shift_right_arithmetic3A_434 = arith.shrsi %sub3A_431, %shift_right_arithmetic3A_433 : vector<16xi32>
          %and3A_435 = arith.constant 8388607 : i32
          %and3A_436 = vector.broadcast %and3A_435 : i32 to vector<16xi32>
          %and3A_437 = arith.andi %sub3A_431, %and3A_436 : vector<16xi32>
          %add3A_438 = arith.constant 1060439283 : i32
          %add3A_439 = vector.broadcast %add3A_438 : i32 to vector<16xi32>
          %add3A_440 = arith.addi %and3A_437, %add3A_439 : vector<16xi32>
          %bitcast_convert_type3A_441 = tpu.bitcast %add3A_440 : vector<16xi32> -> vector<16xf32>
          %mul3A_442 = arith.mulf %scan3A_243, %bitcast_convert_type3A_441 : vector<16xf32>
          %add3A_443 = arith.addi %add3A_291, %shift_right_arithmetic3A_434 : vector<16xi32>
          %add3A_444 = arith.addi %add3A_292, %get3A_412 : vector<16xi32>
          %add3A_445 = arith.constant 80 : i32
          %add3A_446 = arith.addi %mul3A_256, %add3A_445 : i32
          %get3A_447 = arith.index_cast %scan3A_162 : i32 to index
          %get3A_448 = arith.index_cast %add3A_446 : i32 to index
          %get3A_449 = tpu.vector_load %arg5[%get3A_447, %get3A_448] {strides = array<i32>} : memref<8x2048xi32, #tpu.memory_space<vmem>>, vector<1x16xi32>,
          %get3A_450 = vector.shape_cast %get3A_449 : vector<1x16xi32> to vector<16xi32>
          %add3A_451 = arith.constant 80 : i32
          %add3A_452 = arith.addi %mul3A_256, %add3A_451 : i32
          %get3A_453 = arith.index_cast %scan3A_162 : i32 to index
          %get3A_454 = arith.index_cast %add3A_452 : i32 to index
          %get3A_455 = tpu.vector_load %arg7[%get3A_453, %get3A_454] {strides = array<i32>} : memref<8x2048xf32, #tpu.memory_space<vmem>>, vector<1x16xf32>,
          %get3A_456 = vector.shape_cast %get3A_455 : vector<1x16xf32> to vector<16xf32>
          %eq3A_457 = arith.constant 1 : i32
          %eq3A_458 = vector.broadcast %eq3A_457 : i32 to vector<16xi32>
          %eq3A_459 = arith.cmpi eq, %get3A_450, %eq3A_458 : vector<16xi32>
          %jit3A_460 = arith.constant 1.000000e+00 : f32
          %broadcast_in_dim3A_461 = vector.broadcast %jit3A_460 : f32 to vector<16xf32>
          %select_n3A_462 = arith.select %eq3A_459, %get3A_456, %broadcast_in_dim3A_461 : vector<16xi1>, vector<16xf32>
          %max3A_463 = arith.constant 9.99999996E-13 : f32
          %max3A_464 = vector.broadcast %max3A_463 : f32 to vector<16xf32>
          %max3A_465 = arith.maximumf %select_n3A_462, %max3A_464 : vector<16xf32>
          %bitcast_convert_type3A_466 = tpu.bitcast %max3A_465 : vector<16xf32> -> vector<16xi32>
          %sub3A_467 = arith.constant 1060439283 : i32
          %sub3A_468 = vector.broadcast %sub3A_467 : i32 to vector<16xi32>
          %sub3A_469 = arith.subi %bitcast_convert_type3A_466, %sub3A_468 : vector<16xi32>
          %shift_right_arithmetic3A_470 = arith.constant 23 : i32
          %shift_right_arithmetic3A_471 = vector.broadcast %shift_right_arithmetic3A_470 : i32 to vector<16xi32>
          %shift_right_arithmetic3A_472 = arith.shrsi %sub3A_469, %shift_right_arithmetic3A_471 : vector<16xi32>
          %and3A_473 = arith.constant 8388607 : i32
          %and3A_474 = vector.broadcast %and3A_473 : i32 to vector<16xi32>
          %and3A_475 = arith.andi %sub3A_469, %and3A_474 : vector<16xi32>
          %add3A_476 = arith.constant 1060439283 : i32
          %add3A_477 = vector.broadcast %add3A_476 : i32 to vector<16xi32>
          %add3A_478 = arith.addi %and3A_475, %add3A_477 : vector<16xi32>
          %bitcast_convert_type3A_479 = tpu.bitcast %add3A_478 : vector<16xi32> -> vector<16xf32>
          %mul3A_480 = arith.mulf %scan3A_244, %bitcast_convert_type3A_479 : vector<16xf32>
          %add3A_481 = arith.addi %add3A_329, %shift_right_arithmetic3A_472 : vector<16xi32>
          %add3A_482 = arith.addi %add3A_330, %get3A_450 : vector<16xi32>
          %add3A_483 = arith.constant 96 : i32
          %add3A_484 = arith.addi %mul3A_256, %add3A_483 : i32
          %get3A_485 = arith.index_cast %scan3A_162 : i32 to index
          %get3A_486 = arith.index_cast %add3A_484 : i32 to index
          %get3A_487 = tpu.vector_load %arg5[%get3A_485, %get3A_486] {strides = array<i32>} : memref<8x2048xi32, #tpu.memory_space<vmem>>, vector<1x16xi32>,
          %get3A_488 = vector.shape_cast %get3A_487 : vector<1x16xi32> to vector<16xi32>
          %add3A_489 = arith.constant 96 : i32
          %add3A_490 = arith.addi %mul3A_256, %add3A_489 : i32
          %get3A_491 = arith.index_cast %scan3A_162 : i32 to index
          %get3A_492 = arith.index_cast %add3A_490 : i32 to index
          %get3A_493 = tpu.vector_load %arg7[%get3A_491, %get3A_492] {strides = array<i32>} : memref<8x2048xf32, #tpu.memory_space<vmem>>, vector<1x16xf32>,
          %get3A_494 = vector.shape_cast %get3A_493 : vector<1x16xf32> to vector<16xf32>
          %eq3A_495 = arith.constant 1 : i32
          %eq3A_496 = vector.broadcast %eq3A_495 : i32 to vector<16xi32>
          %eq3A_497 = arith.cmpi eq, %get3A_488, %eq3A_496 : vector<16xi32>
          %jit3A_498 = arith.constant 1.000000e+00 : f32
          %broadcast_in_dim3A_499 = vector.broadcast %jit3A_498 : f32 to vector<16xf32>
          %select_n3A_500 = arith.select %eq3A_497, %get3A_494, %broadcast_in_dim3A_499 : vector<16xi1>, vector<16xf32>
          %max3A_501 = arith.constant 9.99999996E-13 : f32
          %max3A_502 = vector.broadcast %max3A_501 : f32 to vector<16xf32>
          %max3A_503 = arith.maximumf %select_n3A_500, %max3A_502 : vector<16xf32>
          %bitcast_convert_type3A_504 = tpu.bitcast %max3A_503 : vector<16xf32> -> vector<16xi32>
          %sub3A_505 = arith.constant 1060439283 : i32
          %sub3A_506 = vector.broadcast %sub3A_505 : i32 to vector<16xi32>
          %sub3A_507 = arith.subi %bitcast_convert_type3A_504, %sub3A_506 : vector<16xi32>
          %shift_right_arithmetic3A_508 = arith.constant 23 : i32
          %shift_right_arithmetic3A_509 = vector.broadcast %shift_right_arithmetic3A_508 : i32 to vector<16xi32>
          %shift_right_arithmetic3A_510 = arith.shrsi %sub3A_507, %shift_right_arithmetic3A_509 : vector<16xi32>
          %and3A_511 = arith.constant 8388607 : i32
          %and3A_512 = vector.broadcast %and3A_511 : i32 to vector<16xi32>
          %and3A_513 = arith.andi %sub3A_507, %and3A_512 : vector<16xi32>
          %add3A_514 = arith.constant 1060439283 : i32
          %add3A_515 = vector.broadcast %add3A_514 : i32 to vector<16xi32>
          %add3A_516 = arith.addi %and3A_513, %add3A_515 : vector<16xi32>
          %bitcast_convert_type3A_517 = tpu.bitcast %add3A_516 : vector<16xi32> -> vector<16xf32>
          %mul3A_518 = arith.mulf %scan3A_245, %bitcast_convert_type3A_517 : vector<16xf32>
          %add3A_519 = arith.addi %add3A_367, %shift_right_arithmetic3A_510 : vector<16xi32>
          %add3A_520 = arith.addi %add3A_368, %get3A_488 : vector<16xi32>
          %add3A_521 = arith.constant 112 : i32
          %add3A_522 = arith.addi %mul3A_256, %add3A_521 : i32
          %get3A_523 = arith.index_cast %scan3A_162 : i32 to index
          %get3A_524 = arith.index_cast %add3A_522 : i32 to index
          %get3A_525 = tpu.vector_load %arg5[%get3A_523, %get3A_524] {strides = array<i32>} : memref<8x2048xi32, #tpu.memory_space<vmem>>, vector<1x16xi32>,
          %get3A_526 = vector.shape_cast %get3A_525 : vector<1x16xi32> to vector<16xi32>
          %add3A_527 = arith.constant 112 : i32
          %add3A_528 = arith.addi %mul3A_256, %add3A_527 : i32
          %get3A_529 = arith.index_cast %scan3A_162 : i32 to index
          %get3A_530 = arith.index_cast %add3A_528 : i32 to index
          %get3A_531 = tpu.vector_load %arg7[%get3A_529, %get3A_530] {strides = array<i32>} : memref<8x2048xf32, #tpu.memory_space<vmem>>, vector<1x16xf32>,
          %get3A_532 = vector.shape_cast %get3A_531 : vector<1x16xf32> to vector<16xf32>
          %eq3A_533 = arith.constant 1 : i32
          %eq3A_534 = vector.broadcast %eq3A_533 : i32 to vector<16xi32>
          %eq3A_535 = arith.cmpi eq, %get3A_526, %eq3A_534 : vector<16xi32>
          %jit3A_536 = arith.constant 1.000000e+00 : f32
          %broadcast_in_dim3A_537 = vector.broadcast %jit3A_536 : f32 to vector<16xf32>
          %select_n3A_538 = arith.select %eq3A_535, %get3A_532, %broadcast_in_dim3A_537 : vector<16xi1>, vector<16xf32>
          %max3A_539 = arith.constant 9.99999996E-13 : f32
          %max3A_540 = vector.broadcast %max3A_539 : f32 to vector<16xf32>
          %max3A_541 = arith.maximumf %select_n3A_538, %max3A_540 : vector<16xf32>
          %bitcast_convert_type3A_542 = tpu.bitcast %max3A_541 : vector<16xf32> -> vector<16xi32>
          %sub3A_543 = arith.constant 1060439283 : i32
          %sub3A_544 = vector.broadcast %sub3A_543 : i32 to vector<16xi32>
          %sub3A_545 = arith.subi %bitcast_convert_type3A_542, %sub3A_544 : vector<16xi32>
          %shift_right_arithmetic3A_546 = arith.constant 23 : i32
          %shift_right_arithmetic3A_547 = vector.broadcast %shift_right_arithmetic3A_546 : i32 to vector<16xi32>
          %shift_right_arithmetic3A_548 = arith.shrsi %sub3A_545, %shift_right_arithmetic3A_547 : vector<16xi32>
          %and3A_549 = arith.constant 8388607 : i32
          %and3A_550 = vector.broadcast %and3A_549 : i32 to vector<16xi32>
          %and3A_551 = arith.andi %sub3A_545, %and3A_550 : vector<16xi32>
          %add3A_552 = arith.constant 1060439283 : i32
          %add3A_553 = vector.broadcast %add3A_552 : i32 to vector<16xi32>
          %add3A_554 = arith.addi %and3A_551, %add3A_553 : vector<16xi32>
          %bitcast_convert_type3A_555 = tpu.bitcast %add3A_554 : vector<16xi32> -> vector<16xf32>
          %mul3A_556 = arith.mulf %scan3A_246, %bitcast_convert_type3A_555 : vector<16xf32>
          %add3A_557 = arith.addi %add3A_405, %shift_right_arithmetic3A_548 : vector<16xi32>
          %add3A_558 = arith.addi %add3A_406, %get3A_526 : vector<16xi32>
          scf.yield %mul3A_290, %mul3A_328, %mul3A_366, %mul3A_404, %mul3A_442, %mul3A_480, %mul3A_518, %mul3A_556, %add3A_443, %add3A_481, %add3A_519, %add3A_557, %add3A_444, %add3A_482, %add3A_520, %add3A_558 : vector<16xf32>, vector<16xf32>, vector<16xf32>, vector<16xf32>, vector<16xf32>, vector<16xf32>, vector<16xf32>, vector<16xf32>, vector<16xi32>, vector<16xi32>, vector<16xi32>, vector<16xi32>, vector<16xi32>, vector<16xi32>, vector<16xi32>, vector<16xi32>
        }
        %scan3A_179 = arith.constant 16 : i32
        %mul3A_180 = arith.mulf %scan3A_178#0, %scan3A_178#1 : vector<16xf32>
        %mul3A_181 = arith.mulf %scan3A_178#2, %scan3A_178#3 : vector<16xf32>
        %mul3A_182 = arith.mulf %scan3A_178#4, %scan3A_178#5 : vector<16xf32>
        %mul3A_183 = arith.mulf %scan3A_178#6, %scan3A_178#7 : vector<16xf32>
        %mul3A_184 = arith.mulf %mul3A_180, %mul3A_181 : vector<16xf32>
        %mul3A_185 = arith.mulf %mul3A_182, %mul3A_183 : vector<16xf32>
        %mul3A_186 = arith.mulf %mul3A_184, %mul3A_185 : vector<16xf32>
        %bitcast_convert_type3A = tpu.bitcast %mul3A_186 : vector<16xf32> -> vector<16xi32>
        %sub3A_187 = arith.constant 1060439283 : i32
        %sub3A_188 = vector.broadcast %sub3A_187 : i32 to vector<16xi32>
        %sub3A_189 = arith.subi %bitcast_convert_type3A, %sub3A_188 : vector<16xi32>
        %shift_right_arithmetic3A = arith.constant 23 : i32
        %shift_right_arithmetic3A_190 = vector.broadcast %shift_right_arithmetic3A : i32 to vector<16xi32>
        %shift_right_arithmetic3A_191 = arith.shrsi %sub3A_189, %shift_right_arithmetic3A_190 : vector<16xi32>
        %and3A_192 = arith.constant 8388607 : i32
        %and3A_193 = vector.broadcast %and3A_192 : i32 to vector<16xi32>
        %and3A_194 = arith.andi %sub3A_189, %and3A_193 : vector<16xi32>
        %add3A_195 = arith.constant 1060439283 : i32
        %add3A_196 = vector.broadcast %add3A_195 : i32 to vector<16xi32>
        %add3A_197 = arith.addi %and3A_194, %add3A_196 : vector<16xi32>
        %bitcast_convert_type3A_198 = tpu.bitcast %add3A_197 : vector<16xi32> -> vector<16xf32>
        %sub3A_199 = arith.constant 1.000000e+00 : f32
        %sub3A_200 = vector.broadcast %sub3A_199 : f32 to vector<16xf32>
        %sub3A_201 = arith.subf %bitcast_convert_type3A_198, %sub3A_200 : vector<16xf32>
        %broadcast_in_dim3A_202 = arith.constant 0.114482306 : f32
        %broadcast_in_dim3A_203 = vector.broadcast %broadcast_in_dim3A_202 : f32 to vector<16xf32>
        %mul3A_204 = arith.mulf %broadcast_in_dim3A_203, %sub3A_201 : vector<16xf32>
        %add3A_205 = arith.constant -1.862740e-01 : f32
        %add3A_206 = vector.broadcast %add3A_205 : f32 to vector<16xf32>
        %add3A_207 = arith.addf %mul3A_204, %add3A_206 : vector<16xf32>
        %mul3A_208 = arith.mulf %add3A_207, %sub3A_201 : vector<16xf32>
        %add3A_209 = arith.constant 0.206117287 : f32
        %add3A_210 = vector.broadcast %add3A_209 : f32 to vector<16xf32>
        %add3A_211 = arith.addf %mul3A_208, %add3A_210 : vector<16xf32>
        %mul3A_212 = arith.mulf %add3A_211, %sub3A_201 : vector<16xf32>
        %add3A_213 = arith.constant -0.249112383 : f32
        %add3A_214 = vector.broadcast %add3A_213 : f32 to vector<16xf32>
        %add3A_215 = arith.addf %mul3A_212, %add3A_214 : vector<16xf32>
        %mul3A_216 = arith.mulf %add3A_215, %sub3A_201 : vector<16xf32>
        %add3A_217 = arith.constant 0.333048195 : f32
        %add3A_218 = vector.broadcast %add3A_217 : f32 to vector<16xf32>
        %add3A_219 = arith.addf %mul3A_216, %add3A_218 : vector<16xf32>
        %mul3A_220 = arith.mulf %add3A_219, %sub3A_201 : vector<16xf32>
        %add3A_221 = arith.constant -0.500012934 : f32
        %add3A_222 = vector.broadcast %add3A_221 : f32 to vector<16xf32>
        %add3A_223 = arith.addf %mul3A_220, %add3A_222 : vector<16xf32>
        %mul3A_224 = arith.mulf %add3A_223, %sub3A_201 : vector<16xf32>
        %add3A_225 = arith.constant 1.0000031 : f32
        %add3A_226 = vector.broadcast %add3A_225 : f32 to vector<16xf32>
        %add3A_227 = arith.addf %mul3A_224, %add3A_226 : vector<16xf32>
        %mul3A_228 = arith.mulf %add3A_227, %sub3A_201 : vector<16xf32>
        %add3A_229 = arith.constant 3.34011609E-8 : f32
        %add3A_230 = vector.broadcast %add3A_229 : f32 to vector<16xf32>
        %add3A_231 = arith.addf %mul3A_228, %add3A_230 : vector<16xf32>
        %convert_element_type3A_232 = arith.sitofp %shift_right_arithmetic3A_191 : vector<16xi32> to vector<16xf32>
        %mul3A_233 = arith.constant 0.693147182 : f32
        %mul3A_234 = vector.broadcast %mul3A_233 : f32 to vector<16xf32>
        %mul3A_235 = arith.mulf %convert_element_type3A_232, %mul3A_234 : vector<16xf32>
        %add3A_236 = arith.addf %mul3A_235, %add3A_231 : vector<16xf32>
        %add3A_237 = arith.addf %scan3A_163, %add3A_236 : vector<16xf32>
        scf.yield %add3A_237, %scan3A_178#8, %scan3A_178#9, %scan3A_178#10, %scan3A_178#11, %scan3A_178#12, %scan3A_178#13, %scan3A_178#14, %scan3A_178#15 : vector<16xf32>, vector<16xi32>, vector<16xi32>, vector<16xi32>, vector<16xi32>, vector<16xi32>, vector<16xi32>, vector<16xi32>, vector<16xi32>
      }
      %scan3A_124 = arith.constant 8 : i32
      %add3A_125 = arith.constant 2 : i32
      %add3A_126 = arith.addi %mul3A_101, %add3A_125 : i32
      %lt3A_127 = arith.constant 8 : i32
      %lt3A_128 = arith.cmpi slt, %add3A_126, %lt3A_127 : i32
      %convert_element_type3A_129 = arith.extui %lt3A_128 : i1 to i32
      %cond3A = arith.constant 0 : i32
      %cond3A_130 = arith.cmpi ne, %convert_element_type3A_129, %cond3A : i32
      scf.if %cond3A_130 {
        %add3A_162 = arith.constant 2 : i32
        %add3A_163 = arith.addi %mul3A_101, %add3A_162 : i32
        %mul3A_164 = arith.constant 8 : i32
        %mul3A_165 = arith.muli %add3A_163, %mul3A_164 : i32
        %add3A_166 = arith.addi %select_n3A_32, %mul3A_165 : i32
        %dma_start3A_167 = arith.constant 0 : i32
        %dma_start3A_168 = tpu.memref_slice %arg2[%select_n3A, %add3A_166, %dma_start3A_167] : memref<8x512x2048xi32, #tpu.memory_space<hbm>> -> memref<1x8x2048xi32, #tpu.memory_space<hbm>>
        %dma_start3A_169 = tpu.memref_squeeze %dma_start3A_168 : memref<1x8x2048xi32, #tpu.memory_space<hbm>> -> memref<8x2048xi32, #tpu.memory_space<hbm>>
        %dma_start3A_170 = arith.constant 0 : i32
        %dma_start3A_171 = tpu.memref_slice %arg2[%select_n3A, %add3A_166, %dma_start3A_170] : memref<8x512x2048xi32, #tpu.memory_space<hbm>> -> memref<1x8x2048xi32, #tpu.memory_space<hbm>>
        %dma_start3A_172 = tpu.memref_squeeze %dma_start3A_171 : memref<1x8x2048xi32, #tpu.memory_space<hbm>> -> memref<8x2048xi32, #tpu.memory_space<hbm>>
        tpu.enqueue_dma source(%dma_start3A_172 : memref<8x2048xi32, #tpu.memory_space<hbm>>) target(%arg5 : memref<8x2048xi32, #tpu.memory_space<vmem>>) target_semaphore(%arg10 : memref<!tpu.dma_semaphore, #tpu.memory_space<semaphore_mem>>)
        %dma_start3A_173 = arith.constant 0 : i32
        %dma_start3A_174 = tpu.memref_slice %arg3[%select_n3A, %add3A_166, %dma_start3A_173] : memref<8x512x2048xf32, #tpu.memory_space<hbm>> -> memref<1x8x2048xf32, #tpu.memory_space<hbm>>
        %dma_start3A_175 = tpu.memref_squeeze %dma_start3A_174 : memref<1x8x2048xf32, #tpu.memory_space<hbm>> -> memref<8x2048xf32, #tpu.memory_space<hbm>>
        %dma_start3A_176 = arith.constant 0 : i32
        %dma_start3A_177 = tpu.memref_slice %arg3[%select_n3A, %add3A_166, %dma_start3A_176] : memref<8x512x2048xf32, #tpu.memory_space<hbm>> -> memref<1x8x2048xf32, #tpu.memory_space<hbm>>
        %dma_start3A_178 = tpu.memref_squeeze %dma_start3A_177 : memref<1x8x2048xf32, #tpu.memory_space<hbm>> -> memref<8x2048xf32, #tpu.memory_space<hbm>>
        tpu.enqueue_dma source(%dma_start3A_178 : memref<8x2048xf32, #tpu.memory_space<hbm>>) target(%arg7 : memref<8x2048xf32, #tpu.memory_space<vmem>>) target_semaphore(%arg12 : memref<!tpu.dma_semaphore, #tpu.memory_space<semaphore_mem>>)
      } else {
      }
      %dma_wait3A_131 = arith.constant 0 : i32
      %dma_wait3A_132 = arith.constant 0 : i32
      %dma_wait3A_133 = arith.constant 0 : i32
      %dma_wait3A_134 = tpu.memref_slice %arg2[%dma_wait3A_131, %dma_wait3A_132, %dma_wait3A_133] : memref<8x512x2048xi32, #tpu.memory_space<hbm>> -> memref<1x8x2048xi32, #tpu.memory_space<hbm>>
      %dma_wait3A_135 = tpu.memref_squeeze %dma_wait3A_134 : memref<1x8x2048xi32, #tpu.memory_space<hbm>> -> memref<8x2048xi32, #tpu.memory_space<hbm>>
      %dma_wait3A_136 = arith.constant 0 : i32
      %dma_wait3A_137 = arith.constant 0 : i32
      %dma_wait3A_138 = tpu.memref_slice %arg2[%dma_wait3A_131, %dma_wait3A_136, %dma_wait3A_137] : memref<8x512x2048xi32, #tpu.memory_space<hbm>> -> memref<1x8x2048xi32, #tpu.memory_space<hbm>>
      %dma_wait3A_139 = tpu.memref_squeeze %dma_wait3A_138 : memref<1x8x2048xi32, #tpu.memory_space<hbm>> -> memref<8x2048xi32, #tpu.memory_space<hbm>>
      tpu.wait_dma2 semaphore(%arg11 : memref<!tpu.dma_semaphore, #tpu.memory_space<semaphore_mem>>) src(%dma_wait3A_139 : memref<8x2048xi32, #tpu.memory_space<hbm>>) dst(%arg6 : memref<8x2048xi32, #tpu.memory_space<vmem>>)
      %dma_wait3A_140 = arith.constant 0 : i32
      %dma_wait3A_141 = arith.constant 0 : i32
      %dma_wait3A_142 = arith.constant 0 : i32
      %dma_wait3A_143 = tpu.memref_slice %arg3[%dma_wait3A_140, %dma_wait3A_141, %dma_wait3A_142] : memref<8x512x2048xf32, #tpu.memory_space<hbm>> -> memref<1x8x2048xf32, #tpu.memory_space<hbm>>
      %dma_wait3A_144 = tpu.memref_squeeze %dma_wait3A_143 : memref<1x8x2048xf32, #tpu.memory_space<hbm>> -> memref<8x2048xf32, #tpu.memory_space<hbm>>
      %dma_wait3A_145 = arith.constant 0 : i32
      %dma_wait3A_146 = arith.constant 0 : i32
      %dma_wait3A_147 = tpu.memref_slice %arg3[%dma_wait3A_140, %dma_wait3A_145, %dma_wait3A_146] : memref<8x512x2048xf32, #tpu.memory_space<hbm>> -> memref<1x8x2048xf32, #tpu.memory_space<hbm>>
      %dma_wait3A_148 = tpu.memref_squeeze %dma_wait3A_147 : memref<1x8x2048xf32, #tpu.memory_space<hbm>> -> memref<8x2048xf32, #tpu.memory_space<hbm>>
      tpu.wait_dma2 semaphore(%arg13 : memref<!tpu.dma_semaphore, #tpu.memory_space<semaphore_mem>>) src(%dma_wait3A_148 : memref<8x2048xf32, #tpu.memory_space<hbm>>) dst(%arg8 : memref<8x2048xf32, #tpu.memory_space<vmem>>)
      %scan3A_149 = arith.constant 0 : i32
      %scan3A_150 = arith.constant 8 : i32
      %scan3A_151 = arith.addi %scan3A_149, %scan3A_150 : i32
      %scan3A_152 = arith.constant 1 : i32
      %scan3A_153:9 = scf.for %scan3A_162 = %scan3A_149 to %scan3A_151 step %scan3A_152 iter_args(%scan3A_163 = %scan3A_123#0, %scan3A_164 = %scan3A_123#1, %scan3A_165 = %scan3A_123#2, %scan3A_166 = %scan3A_123#3, %scan3A_167 = %scan3A_123#4, %scan3A_168 = %scan3A_123#5, %scan3A_169 = %scan3A_123#6, %scan3A_170 = %scan3A_123#7, %scan3A_171 = %scan3A_123#8) -> (vector<16xf32>, vector<16xi32>, vector<16xi32>, vector<16xi32>, vector<16xi32>, vector<16xi32>, vector<16xi32>, vector<16xi32>, vector<16xi32>)  : i32 {
        %broadcast_in_dim3A_172 = arith.constant 1.000000e+00 : f32
        %broadcast_in_dim3A_173 = vector.broadcast %broadcast_in_dim3A_172 : f32 to vector<16xf32>
        %scan3A_174 = arith.constant 0 : i32
        %scan3A_175 = arith.constant 16 : i32
        %scan3A_176 = arith.addi %scan3A_174, %scan3A_175 : i32
        %scan3A_177 = arith.constant 1 : i32
        %scan3A_178:16 = scf.for %scan3A_238 = %scan3A_174 to %scan3A_176 step %scan3A_177 iter_args(%scan3A_239 = %broadcast_in_dim3A_173, %scan3A_240 = %broadcast_in_dim3A_173, %scan3A_241 = %broadcast_in_dim3A_173, %scan3A_242 = %broadcast_in_dim3A_173, %scan3A_243 = %broadcast_in_dim3A_173, %scan3A_244 = %broadcast_in_dim3A_173, %scan3A_245 = %broadcast_in_dim3A_173, %scan3A_246 = %broadcast_in_dim3A_173, %scan3A_247 = %scan3A_164, %scan3A_248 = %scan3A_165, %scan3A_249 = %scan3A_166, %scan3A_250 = %scan3A_167, %scan3A_251 = %scan3A_168, %scan3A_252 = %scan3A_169, %scan3A_253 = %scan3A_170, %scan3A_254 = %scan3A_171) -> (vector<16xf32>, vector<16xf32>, vector<16xf32>, vector<16xf32>, vector<16xf32>, vector<16xf32>, vector<16xf32>, vector<16xf32>, vector<16xi32>, vector<16xi32>, vector<16xi32>, vector<16xi32>, vector<16xi32>, vector<16xi32>, vector<16xi32>, vector<16xi32>)  : i32 {
          %mul3A_255 = arith.constant 128 : i32
          %mul3A_256 = arith.muli %scan3A_238, %mul3A_255 : i32
          %add3A_257 = arith.constant 0 : i32
          %add3A_258 = arith.addi %mul3A_256, %add3A_257 : i32
          %get3A = arith.index_cast %scan3A_162 : i32 to index
          %get3A_259 = arith.index_cast %add3A_258 : i32 to index
          %get3A_260 = tpu.vector_load %arg6[%get3A, %get3A_259] {strides = array<i32>} : memref<8x2048xi32, #tpu.memory_space<vmem>>, vector<1x16xi32>,
          %get3A_261 = vector.shape_cast %get3A_260 : vector<1x16xi32> to vector<16xi32>
          %add3A_262 = arith.constant 0 : i32
          %add3A_263 = arith.addi %mul3A_256, %add3A_262 : i32
          %get3A_264 = arith.index_cast %scan3A_162 : i32 to index
          %get3A_265 = arith.index_cast %add3A_263 : i32 to index
          %get3A_266 = tpu.vector_load %arg8[%get3A_264, %get3A_265] {strides = array<i32>} : memref<8x2048xf32, #tpu.memory_space<vmem>>, vector<1x16xf32>,
          %get3A_267 = vector.shape_cast %get3A_266 : vector<1x16xf32> to vector<16xf32>
          %eq3A_268 = arith.constant 1 : i32
          %eq3A_269 = vector.broadcast %eq3A_268 : i32 to vector<16xi32>
          %eq3A_270 = arith.cmpi eq, %get3A_261, %eq3A_269 : vector<16xi32>
          %jit3A_271 = arith.constant 1.000000e+00 : f32
          %broadcast_in_dim3A_272 = vector.broadcast %jit3A_271 : f32 to vector<16xf32>
          %select_n3A_273 = arith.select %eq3A_270, %get3A_267, %broadcast_in_dim3A_272 : vector<16xi1>, vector<16xf32>
          %max3A = arith.constant 9.99999996E-13 : f32
          %max3A_274 = vector.broadcast %max3A : f32 to vector<16xf32>
          %max3A_275 = arith.maximumf %select_n3A_273, %max3A_274 : vector<16xf32>
          %bitcast_convert_type3A_276 = tpu.bitcast %max3A_275 : vector<16xf32> -> vector<16xi32>
          %sub3A_277 = arith.constant 1060439283 : i32
          %sub3A_278 = vector.broadcast %sub3A_277 : i32 to vector<16xi32>
          %sub3A_279 = arith.subi %bitcast_convert_type3A_276, %sub3A_278 : vector<16xi32>
          %shift_right_arithmetic3A_280 = arith.constant 23 : i32
          %shift_right_arithmetic3A_281 = vector.broadcast %shift_right_arithmetic3A_280 : i32 to vector<16xi32>
          %shift_right_arithmetic3A_282 = arith.shrsi %sub3A_279, %shift_right_arithmetic3A_281 : vector<16xi32>
          %and3A_283 = arith.constant 8388607 : i32
          %and3A_284 = vector.broadcast %and3A_283 : i32 to vector<16xi32>
          %and3A_285 = arith.andi %sub3A_279, %and3A_284 : vector<16xi32>
          %add3A_286 = arith.constant 1060439283 : i32
          %add3A_287 = vector.broadcast %add3A_286 : i32 to vector<16xi32>
          %add3A_288 = arith.addi %and3A_285, %add3A_287 : vector<16xi32>
          %bitcast_convert_type3A_289 = tpu.bitcast %add3A_288 : vector<16xi32> -> vector<16xf32>
          %mul3A_290 = arith.mulf %scan3A_239, %bitcast_convert_type3A_289 : vector<16xf32>
          %add3A_291 = arith.addi %scan3A_247, %shift_right_arithmetic3A_282 : vector<16xi32>
          %add3A_292 = arith.addi %scan3A_251, %get3A_261 : vector<16xi32>
          %add3A_293 = arith.constant 16 : i32
          %add3A_294 = arith.addi %mul3A_256, %add3A_293 : i32
          %get3A_295 = arith.index_cast %scan3A_162 : i32 to index
          %get3A_296 = arith.index_cast %add3A_294 : i32 to index
          %get3A_297 = tpu.vector_load %arg6[%get3A_295, %get3A_296] {strides = array<i32>} : memref<8x2048xi32, #tpu.memory_space<vmem>>, vector<1x16xi32>,
          %get3A_298 = vector.shape_cast %get3A_297 : vector<1x16xi32> to vector<16xi32>
          %add3A_299 = arith.constant 16 : i32
          %add3A_300 = arith.addi %mul3A_256, %add3A_299 : i32
          %get3A_301 = arith.index_cast %scan3A_162 : i32 to index
          %get3A_302 = arith.index_cast %add3A_300 : i32 to index
          %get3A_303 = tpu.vector_load %arg8[%get3A_301, %get3A_302] {strides = array<i32>} : memref<8x2048xf32, #tpu.memory_space<vmem>>, vector<1x16xf32>,
          %get3A_304 = vector.shape_cast %get3A_303 : vector<1x16xf32> to vector<16xf32>
          %eq3A_305 = arith.constant 1 : i32
          %eq3A_306 = vector.broadcast %eq3A_305 : i32 to vector<16xi32>
          %eq3A_307 = arith.cmpi eq, %get3A_298, %eq3A_306 : vector<16xi32>
          %jit3A_308 = arith.constant 1.000000e+00 : f32
          %broadcast_in_dim3A_309 = vector.broadcast %jit3A_308 : f32 to vector<16xf32>
          %select_n3A_310 = arith.select %eq3A_307, %get3A_304, %broadcast_in_dim3A_309 : vector<16xi1>, vector<16xf32>
          %max3A_311 = arith.constant 9.99999996E-13 : f32
          %max3A_312 = vector.broadcast %max3A_311 : f32 to vector<16xf32>
          %max3A_313 = arith.maximumf %select_n3A_310, %max3A_312 : vector<16xf32>
          %bitcast_convert_type3A_314 = tpu.bitcast %max3A_313 : vector<16xf32> -> vector<16xi32>
          %sub3A_315 = arith.constant 1060439283 : i32
          %sub3A_316 = vector.broadcast %sub3A_315 : i32 to vector<16xi32>
          %sub3A_317 = arith.subi %bitcast_convert_type3A_314, %sub3A_316 : vector<16xi32>
          %shift_right_arithmetic3A_318 = arith.constant 23 : i32
          %shift_right_arithmetic3A_319 = vector.broadcast %shift_right_arithmetic3A_318 : i32 to vector<16xi32>
          %shift_right_arithmetic3A_320 = arith.shrsi %sub3A_317, %shift_right_arithmetic3A_319 : vector<16xi32>
          %and3A_321 = arith.constant 8388607 : i32
          %and3A_322 = vector.broadcast %and3A_321 : i32 to vector<16xi32>
          %and3A_323 = arith.andi %sub3A_317, %and3A_322 : vector<16xi32>
          %add3A_324 = arith.constant 1060439283 : i32
          %add3A_325 = vector.broadcast %add3A_324 : i32 to vector<16xi32>
          %add3A_326 = arith.addi %and3A_323, %add3A_325 : vector<16xi32>
          %bitcast_convert_type3A_327 = tpu.bitcast %add3A_326 : vector<16xi32> -> vector<16xf32>
          %mul3A_328 = arith.mulf %scan3A_240, %bitcast_convert_type3A_327 : vector<16xf32>
          %add3A_329 = arith.addi %scan3A_248, %shift_right_arithmetic3A_320 : vector<16xi32>
          %add3A_330 = arith.addi %scan3A_252, %get3A_298 : vector<16xi32>
          %add3A_331 = arith.constant 32 : i32
          %add3A_332 = arith.addi %mul3A_256, %add3A_331 : i32
          %get3A_333 = arith.index_cast %scan3A_162 : i32 to index
          %get3A_334 = arith.index_cast %add3A_332 : i32 to index
          %get3A_335 = tpu.vector_load %arg6[%get3A_333, %get3A_334] {strides = array<i32>} : memref<8x2048xi32, #tpu.memory_space<vmem>>, vector<1x16xi32>,
          %get3A_336 = vector.shape_cast %get3A_335 : vector<1x16xi32> to vector<16xi32>
          %add3A_337 = arith.constant 32 : i32
          %add3A_338 = arith.addi %mul3A_256, %add3A_337 : i32
          %get3A_339 = arith.index_cast %scan3A_162 : i32 to index
          %get3A_340 = arith.index_cast %add3A_338 : i32 to index
          %get3A_341 = tpu.vector_load %arg8[%get3A_339, %get3A_340] {strides = array<i32>} : memref<8x2048xf32, #tpu.memory_space<vmem>>, vector<1x16xf32>,
          %get3A_342 = vector.shape_cast %get3A_341 : vector<1x16xf32> to vector<16xf32>
          %eq3A_343 = arith.constant 1 : i32
          %eq3A_344 = vector.broadcast %eq3A_343 : i32 to vector<16xi32>
          %eq3A_345 = arith.cmpi eq, %get3A_336, %eq3A_344 : vector<16xi32>
          %jit3A_346 = arith.constant 1.000000e+00 : f32
          %broadcast_in_dim3A_347 = vector.broadcast %jit3A_346 : f32 to vector<16xf32>
          %select_n3A_348 = arith.select %eq3A_345, %get3A_342, %broadcast_in_dim3A_347 : vector<16xi1>, vector<16xf32>
          %max3A_349 = arith.constant 9.99999996E-13 : f32
          %max3A_350 = vector.broadcast %max3A_349 : f32 to vector<16xf32>
          %max3A_351 = arith.maximumf %select_n3A_348, %max3A_350 : vector<16xf32>
          %bitcast_convert_type3A_352 = tpu.bitcast %max3A_351 : vector<16xf32> -> vector<16xi32>
          %sub3A_353 = arith.constant 1060439283 : i32
          %sub3A_354 = vector.broadcast %sub3A_353 : i32 to vector<16xi32>
          %sub3A_355 = arith.subi %bitcast_convert_type3A_352, %sub3A_354 : vector<16xi32>
          %shift_right_arithmetic3A_356 = arith.constant 23 : i32
          %shift_right_arithmetic3A_357 = vector.broadcast %shift_right_arithmetic3A_356 : i32 to vector<16xi32>
          %shift_right_arithmetic3A_358 = arith.shrsi %sub3A_355, %shift_right_arithmetic3A_357 : vector<16xi32>
          %and3A_359 = arith.constant 8388607 : i32
          %and3A_360 = vector.broadcast %and3A_359 : i32 to vector<16xi32>
          %and3A_361 = arith.andi %sub3A_355, %and3A_360 : vector<16xi32>
          %add3A_362 = arith.constant 1060439283 : i32
          %add3A_363 = vector.broadcast %add3A_362 : i32 to vector<16xi32>
          %add3A_364 = arith.addi %and3A_361, %add3A_363 : vector<16xi32>
          %bitcast_convert_type3A_365 = tpu.bitcast %add3A_364 : vector<16xi32> -> vector<16xf32>
          %mul3A_366 = arith.mulf %scan3A_241, %bitcast_convert_type3A_365 : vector<16xf32>
          %add3A_367 = arith.addi %scan3A_249, %shift_right_arithmetic3A_358 : vector<16xi32>
          %add3A_368 = arith.addi %scan3A_253, %get3A_336 : vector<16xi32>
          %add3A_369 = arith.constant 48 : i32
          %add3A_370 = arith.addi %mul3A_256, %add3A_369 : i32
          %get3A_371 = arith.index_cast %scan3A_162 : i32 to index
          %get3A_372 = arith.index_cast %add3A_370 : i32 to index
          %get3A_373 = tpu.vector_load %arg6[%get3A_371, %get3A_372] {strides = array<i32>} : memref<8x2048xi32, #tpu.memory_space<vmem>>, vector<1x16xi32>,
          %get3A_374 = vector.shape_cast %get3A_373 : vector<1x16xi32> to vector<16xi32>
          %add3A_375 = arith.constant 48 : i32
          %add3A_376 = arith.addi %mul3A_256, %add3A_375 : i32
          %get3A_377 = arith.index_cast %scan3A_162 : i32 to index
          %get3A_378 = arith.index_cast %add3A_376 : i32 to index
          %get3A_379 = tpu.vector_load %arg8[%get3A_377, %get3A_378] {strides = array<i32>} : memref<8x2048xf32, #tpu.memory_space<vmem>>, vector<1x16xf32>,
          %get3A_380 = vector.shape_cast %get3A_379 : vector<1x16xf32> to vector<16xf32>
          %eq3A_381 = arith.constant 1 : i32
          %eq3A_382 = vector.broadcast %eq3A_381 : i32 to vector<16xi32>
          %eq3A_383 = arith.cmpi eq, %get3A_374, %eq3A_382 : vector<16xi32>
          %jit3A_384 = arith.constant 1.000000e+00 : f32
          %broadcast_in_dim3A_385 = vector.broadcast %jit3A_384 : f32 to vector<16xf32>
          %select_n3A_386 = arith.select %eq3A_383, %get3A_380, %broadcast_in_dim3A_385 : vector<16xi1>, vector<16xf32>
          %max3A_387 = arith.constant 9.99999996E-13 : f32
          %max3A_388 = vector.broadcast %max3A_387 : f32 to vector<16xf32>
          %max3A_389 = arith.maximumf %select_n3A_386, %max3A_388 : vector<16xf32>
          %bitcast_convert_type3A_390 = tpu.bitcast %max3A_389 : vector<16xf32> -> vector<16xi32>
          %sub3A_391 = arith.constant 1060439283 : i32
          %sub3A_392 = vector.broadcast %sub3A_391 : i32 to vector<16xi32>
          %sub3A_393 = arith.subi %bitcast_convert_type3A_390, %sub3A_392 : vector<16xi32>
          %shift_right_arithmetic3A_394 = arith.constant 23 : i32
          %shift_right_arithmetic3A_395 = vector.broadcast %shift_right_arithmetic3A_394 : i32 to vector<16xi32>
          %shift_right_arithmetic3A_396 = arith.shrsi %sub3A_393, %shift_right_arithmetic3A_395 : vector<16xi32>
          %and3A_397 = arith.constant 8388607 : i32
          %and3A_398 = vector.broadcast %and3A_397 : i32 to vector<16xi32>
          %and3A_399 = arith.andi %sub3A_393, %and3A_398 : vector<16xi32>
          %add3A_400 = arith.constant 1060439283 : i32
          %add3A_401 = vector.broadcast %add3A_400 : i32 to vector<16xi32>
          %add3A_402 = arith.addi %and3A_399, %add3A_401 : vector<16xi32>
          %bitcast_convert_type3A_403 = tpu.bitcast %add3A_402 : vector<16xi32> -> vector<16xf32>
          %mul3A_404 = arith.mulf %scan3A_242, %bitcast_convert_type3A_403 : vector<16xf32>
          %add3A_405 = arith.addi %scan3A_250, %shift_right_arithmetic3A_396 : vector<16xi32>
          %add3A_406 = arith.addi %scan3A_254, %get3A_374 : vector<16xi32>
          %add3A_407 = arith.constant 64 : i32
          %add3A_408 = arith.addi %mul3A_256, %add3A_407 : i32
          %get3A_409 = arith.index_cast %scan3A_162 : i32 to index
          %get3A_410 = arith.index_cast %add3A_408 : i32 to index
          %get3A_411 = tpu.vector_load %arg6[%get3A_409, %get3A_410] {strides = array<i32>} : memref<8x2048xi32, #tpu.memory_space<vmem>>, vector<1x16xi32>,
          %get3A_412 = vector.shape_cast %get3A_411 : vector<1x16xi32> to vector<16xi32>
          %add3A_413 = arith.constant 64 : i32
          %add3A_414 = arith.addi %mul3A_256, %add3A_413 : i32
          %get3A_415 = arith.index_cast %scan3A_162 : i32 to index
          %get3A_416 = arith.index_cast %add3A_414 : i32 to index
          %get3A_417 = tpu.vector_load %arg8[%get3A_415, %get3A_416] {strides = array<i32>} : memref<8x2048xf32, #tpu.memory_space<vmem>>, vector<1x16xf32>,
          %get3A_418 = vector.shape_cast %get3A_417 : vector<1x16xf32> to vector<16xf32>
          %eq3A_419 = arith.constant 1 : i32
          %eq3A_420 = vector.broadcast %eq3A_419 : i32 to vector<16xi32>
          %eq3A_421 = arith.cmpi eq, %get3A_412, %eq3A_420 : vector<16xi32>
          %jit3A_422 = arith.constant 1.000000e+00 : f32
          %broadcast_in_dim3A_423 = vector.broadcast %jit3A_422 : f32 to vector<16xf32>
          %select_n3A_424 = arith.select %eq3A_421, %get3A_418, %broadcast_in_dim3A_423 : vector<16xi1>, vector<16xf32>
          %max3A_425 = arith.constant 9.99999996E-13 : f32
          %max3A_426 = vector.broadcast %max3A_425 : f32 to vector<16xf32>
          %max3A_427 = arith.maximumf %select_n3A_424, %max3A_426 : vector<16xf32>
          %bitcast_convert_type3A_428 = tpu.bitcast %max3A_427 : vector<16xf32> -> vector<16xi32>
          %sub3A_429 = arith.constant 1060439283 : i32
          %sub3A_430 = vector.broadcast %sub3A_429 : i32 to vector<16xi32>
          %sub3A_431 = arith.subi %bitcast_convert_type3A_428, %sub3A_430 : vector<16xi32>
          %shift_right_arithmetic3A_432 = arith.constant 23 : i32
          %shift_right_arithmetic3A_433 = vector.broadcast %shift_right_arithmetic3A_432 : i32 to vector<16xi32>
          %shift_right_arithmetic3A_434 = arith.shrsi %sub3A_431, %shift_right_arithmetic3A_433 : vector<16xi32>
          %and3A_435 = arith.constant 8388607 : i32
          %and3A_436 = vector.broadcast %and3A_435 : i32 to vector<16xi32>
          %and3A_437 = arith.andi %sub3A_431, %and3A_436 : vector<16xi32>
          %add3A_438 = arith.constant 1060439283 : i32
          %add3A_439 = vector.broadcast %add3A_438 : i32 to vector<16xi32>
          %add3A_440 = arith.addi %and3A_437, %add3A_439 : vector<16xi32>
          %bitcast_convert_type3A_441 = tpu.bitcast %add3A_440 : vector<16xi32> -> vector<16xf32>
          %mul3A_442 = arith.mulf %scan3A_243, %bitcast_convert_type3A_441 : vector<16xf32>
          %add3A_443 = arith.addi %add3A_291, %shift_right_arithmetic3A_434 : vector<16xi32>
          %add3A_444 = arith.addi %add3A_292, %get3A_412 : vector<16xi32>
          %add3A_445 = arith.constant 80 : i32
          %add3A_446 = arith.addi %mul3A_256, %add3A_445 : i32
          %get3A_447 = arith.index_cast %scan3A_162 : i32 to index
          %get3A_448 = arith.index_cast %add3A_446 : i32 to index
          %get3A_449 = tpu.vector_load %arg6[%get3A_447, %get3A_448] {strides = array<i32>} : memref<8x2048xi32, #tpu.memory_space<vmem>>, vector<1x16xi32>,
          %get3A_450 = vector.shape_cast %get3A_449 : vector<1x16xi32> to vector<16xi32>
          %add3A_451 = arith.constant 80 : i32
          %add3A_452 = arith.addi %mul3A_256, %add3A_451 : i32
          %get3A_453 = arith.index_cast %scan3A_162 : i32 to index
          %get3A_454 = arith.index_cast %add3A_452 : i32 to index
          %get3A_455 = tpu.vector_load %arg8[%get3A_453, %get3A_454] {strides = array<i32>} : memref<8x2048xf32, #tpu.memory_space<vmem>>, vector<1x16xf32>,
          %get3A_456 = vector.shape_cast %get3A_455 : vector<1x16xf32> to vector<16xf32>
          %eq3A_457 = arith.constant 1 : i32
          %eq3A_458 = vector.broadcast %eq3A_457 : i32 to vector<16xi32>
          %eq3A_459 = arith.cmpi eq, %get3A_450, %eq3A_458 : vector<16xi32>
          %jit3A_460 = arith.constant 1.000000e+00 : f32
          %broadcast_in_dim3A_461 = vector.broadcast %jit3A_460 : f32 to vector<16xf32>
          %select_n3A_462 = arith.select %eq3A_459, %get3A_456, %broadcast_in_dim3A_461 : vector<16xi1>, vector<16xf32>
          %max3A_463 = arith.constant 9.99999996E-13 : f32
          %max3A_464 = vector.broadcast %max3A_463 : f32 to vector<16xf32>
          %max3A_465 = arith.maximumf %select_n3A_462, %max3A_464 : vector<16xf32>
          %bitcast_convert_type3A_466 = tpu.bitcast %max3A_465 : vector<16xf32> -> vector<16xi32>
          %sub3A_467 = arith.constant 1060439283 : i32
          %sub3A_468 = vector.broadcast %sub3A_467 : i32 to vector<16xi32>
          %sub3A_469 = arith.subi %bitcast_convert_type3A_466, %sub3A_468 : vector<16xi32>
          %shift_right_arithmetic3A_470 = arith.constant 23 : i32
          %shift_right_arithmetic3A_471 = vector.broadcast %shift_right_arithmetic3A_470 : i32 to vector<16xi32>
          %shift_right_arithmetic3A_472 = arith.shrsi %sub3A_469, %shift_right_arithmetic3A_471 : vector<16xi32>
          %and3A_473 = arith.constant 8388607 : i32
          %and3A_474 = vector.broadcast %and3A_473 : i32 to vector<16xi32>
          %and3A_475 = arith.andi %sub3A_469, %and3A_474 : vector<16xi32>
          %add3A_476 = arith.constant 1060439283 : i32
          %add3A_477 = vector.broadcast %add3A_476 : i32 to vector<16xi32>
          %add3A_478 = arith.addi %and3A_475, %add3A_477 : vector<16xi32>
          %bitcast_convert_type3A_479 = tpu.bitcast %add3A_478 : vector<16xi32> -> vector<16xf32>
          %mul3A_480 = arith.mulf %scan3A_244, %bitcast_convert_type3A_479 : vector<16xf32>
          %add3A_481 = arith.addi %add3A_329, %shift_right_arithmetic3A_472 : vector<16xi32>
          %add3A_482 = arith.addi %add3A_330, %get3A_450 : vector<16xi32>
          %add3A_483 = arith.constant 96 : i32
          %add3A_484 = arith.addi %mul3A_256, %add3A_483 : i32
          %get3A_485 = arith.index_cast %scan3A_162 : i32 to index
          %get3A_486 = arith.index_cast %add3A_484 : i32 to index
          %get3A_487 = tpu.vector_load %arg6[%get3A_485, %get3A_486] {strides = array<i32>} : memref<8x2048xi32, #tpu.memory_space<vmem>>, vector<1x16xi32>,
          %get3A_488 = vector.shape_cast %get3A_487 : vector<1x16xi32> to vector<16xi32>
          %add3A_489 = arith.constant 96 : i32
          %add3A_490 = arith.addi %mul3A_256, %add3A_489 : i32
          %get3A_491 = arith.index_cast %scan3A_162 : i32 to index
          %get3A_492 = arith.index_cast %add3A_490 : i32 to index
          %get3A_493 = tpu.vector_load %arg8[%get3A_491, %get3A_492] {strides = array<i32>} : memref<8x2048xf32, #tpu.memory_space<vmem>>, vector<1x16xf32>,
          %get3A_494 = vector.shape_cast %get3A_493 : vector<1x16xf32> to vector<16xf32>
          %eq3A_495 = arith.constant 1 : i32
          %eq3A_496 = vector.broadcast %eq3A_495 : i32 to vector<16xi32>
          %eq3A_497 = arith.cmpi eq, %get3A_488, %eq3A_496 : vector<16xi32>
          %jit3A_498 = arith.constant 1.000000e+00 : f32
          %broadcast_in_dim3A_499 = vector.broadcast %jit3A_498 : f32 to vector<16xf32>
          %select_n3A_500 = arith.select %eq3A_497, %get3A_494, %broadcast_in_dim3A_499 : vector<16xi1>, vector<16xf32>
          %max3A_501 = arith.constant 9.99999996E-13 : f32
          %max3A_502 = vector.broadcast %max3A_501 : f32 to vector<16xf32>
          %max3A_503 = arith.maximumf %select_n3A_500, %max3A_502 : vector<16xf32>
          %bitcast_convert_type3A_504 = tpu.bitcast %max3A_503 : vector<16xf32> -> vector<16xi32>
          %sub3A_505 = arith.constant 1060439283 : i32
          %sub3A_506 = vector.broadcast %sub3A_505 : i32 to vector<16xi32>
          %sub3A_507 = arith.subi %bitcast_convert_type3A_504, %sub3A_506 : vector<16xi32>
          %shift_right_arithmetic3A_508 = arith.constant 23 : i32
          %shift_right_arithmetic3A_509 = vector.broadcast %shift_right_arithmetic3A_508 : i32 to vector<16xi32>
          %shift_right_arithmetic3A_510 = arith.shrsi %sub3A_507, %shift_right_arithmetic3A_509 : vector<16xi32>
          %and3A_511 = arith.constant 8388607 : i32
          %and3A_512 = vector.broadcast %and3A_511 : i32 to vector<16xi32>
          %and3A_513 = arith.andi %sub3A_507, %and3A_512 : vector<16xi32>
          %add3A_514 = arith.constant 1060439283 : i32
          %add3A_515 = vector.broadcast %add3A_514 : i32 to vector<16xi32>
          %add3A_516 = arith.addi %and3A_513, %add3A_515 : vector<16xi32>
          %bitcast_convert_type3A_517 = tpu.bitcast %add3A_516 : vector<16xi32> -> vector<16xf32>
          %mul3A_518 = arith.mulf %scan3A_245, %bitcast_convert_type3A_517 : vector<16xf32>
          %add3A_519 = arith.addi %add3A_367, %shift_right_arithmetic3A_510 : vector<16xi32>
          %add3A_520 = arith.addi %add3A_368, %get3A_488 : vector<16xi32>
          %add3A_521 = arith.constant 112 : i32
          %add3A_522 = arith.addi %mul3A_256, %add3A_521 : i32
          %get3A_523 = arith.index_cast %scan3A_162 : i32 to index
          %get3A_524 = arith.index_cast %add3A_522 : i32 to index
          %get3A_525 = tpu.vector_load %arg6[%get3A_523, %get3A_524] {strides = array<i32>} : memref<8x2048xi32, #tpu.memory_space<vmem>>, vector<1x16xi32>,
          %get3A_526 = vector.shape_cast %get3A_525 : vector<1x16xi32> to vector<16xi32>
          %add3A_527 = arith.constant 112 : i32
          %add3A_528 = arith.addi %mul3A_256, %add3A_527 : i32
          %get3A_529 = arith.index_cast %scan3A_162 : i32 to index
          %get3A_530 = arith.index_cast %add3A_528 : i32 to index
          %get3A_531 = tpu.vector_load %arg8[%get3A_529, %get3A_530] {strides = array<i32>} : memref<8x2048xf32, #tpu.memory_space<vmem>>, vector<1x16xf32>,
          %get3A_532 = vector.shape_cast %get3A_531 : vector<1x16xf32> to vector<16xf32>
          %eq3A_533 = arith.constant 1 : i32
          %eq3A_534 = vector.broadcast %eq3A_533 : i32 to vector<16xi32>
          %eq3A_535 = arith.cmpi eq, %get3A_526, %eq3A_534 : vector<16xi32>
          %jit3A_536 = arith.constant 1.000000e+00 : f32
          %broadcast_in_dim3A_537 = vector.broadcast %jit3A_536 : f32 to vector<16xf32>
          %select_n3A_538 = arith.select %eq3A_535, %get3A_532, %broadcast_in_dim3A_537 : vector<16xi1>, vector<16xf32>
          %max3A_539 = arith.constant 9.99999996E-13 : f32
          %max3A_540 = vector.broadcast %max3A_539 : f32 to vector<16xf32>
          %max3A_541 = arith.maximumf %select_n3A_538, %max3A_540 : vector<16xf32>
          %bitcast_convert_type3A_542 = tpu.bitcast %max3A_541 : vector<16xf32> -> vector<16xi32>
          %sub3A_543 = arith.constant 1060439283 : i32
          %sub3A_544 = vector.broadcast %sub3A_543 : i32 to vector<16xi32>
          %sub3A_545 = arith.subi %bitcast_convert_type3A_542, %sub3A_544 : vector<16xi32>
          %shift_right_arithmetic3A_546 = arith.constant 23 : i32
          %shift_right_arithmetic3A_547 = vector.broadcast %shift_right_arithmetic3A_546 : i32 to vector<16xi32>
          %shift_right_arithmetic3A_548 = arith.shrsi %sub3A_545, %shift_right_arithmetic3A_547 : vector<16xi32>
          %and3A_549 = arith.constant 8388607 : i32
          %and3A_550 = vector.broadcast %and3A_549 : i32 to vector<16xi32>
          %and3A_551 = arith.andi %sub3A_545, %and3A_550 : vector<16xi32>
          %add3A_552 = arith.constant 1060439283 : i32
          %add3A_553 = vector.broadcast %add3A_552 : i32 to vector<16xi32>
          %add3A_554 = arith.addi %and3A_551, %add3A_553 : vector<16xi32>
          %bitcast_convert_type3A_555 = tpu.bitcast %add3A_554 : vector<16xi32> -> vector<16xf32>
          %mul3A_556 = arith.mulf %scan3A_246, %bitcast_convert_type3A_555 : vector<16xf32>
          %add3A_557 = arith.addi %add3A_405, %shift_right_arithmetic3A_548 : vector<16xi32>
          %add3A_558 = arith.addi %add3A_406, %get3A_526 : vector<16xi32>
          scf.yield %mul3A_290, %mul3A_328, %mul3A_366, %mul3A_404, %mul3A_442, %mul3A_480, %mul3A_518, %mul3A_556, %add3A_443, %add3A_481, %add3A_519, %add3A_557, %add3A_444, %add3A_482, %add3A_520, %add3A_558 : vector<16xf32>, vector<16xf32>, vector<16xf32>, vector<16xf32>, vector<16xf32>, vector<16xf32>, vector<16xf32>, vector<16xf32>, vector<16xi32>, vector<16xi32>, vector<16xi32>, vector<16xi32>, vector<16xi32>, vector<16xi32>, vector<16xi32>, vector<16xi32>
        }
        %scan3A_179 = arith.constant 16 : i32
        %mul3A_180 = arith.mulf %scan3A_178#0, %scan3A_178#1 : vector<16xf32>
        %mul3A_181 = arith.mulf %scan3A_178#2, %scan3A_178#3 : vector<16xf32>
        %mul3A_182 = arith.mulf %scan3A_178#4, %scan3A_178#5 : vector<16xf32>
        %mul3A_183 = arith.mulf %scan3A_178#6, %scan3A_178#7 : vector<16xf32>
        %mul3A_184 = arith.mulf %mul3A_180, %mul3A_181 : vector<16xf32>
        %mul3A_185 = arith.mulf %mul3A_182, %mul3A_183 : vector<16xf32>
        %mul3A_186 = arith.mulf %mul3A_184, %mul3A_185 : vector<16xf32>
        %bitcast_convert_type3A = tpu.bitcast %mul3A_186 : vector<16xf32> -> vector<16xi32>
        %sub3A_187 = arith.constant 1060439283 : i32
        %sub3A_188 = vector.broadcast %sub3A_187 : i32 to vector<16xi32>
        %sub3A_189 = arith.subi %bitcast_convert_type3A, %sub3A_188 : vector<16xi32>
        %shift_right_arithmetic3A = arith.constant 23 : i32
        %shift_right_arithmetic3A_190 = vector.broadcast %shift_right_arithmetic3A : i32 to vector<16xi32>
        %shift_right_arithmetic3A_191 = arith.shrsi %sub3A_189, %shift_right_arithmetic3A_190 : vector<16xi32>
        %and3A_192 = arith.constant 8388607 : i32
        %and3A_193 = vector.broadcast %and3A_192 : i32 to vector<16xi32>
        %and3A_194 = arith.andi %sub3A_189, %and3A_193 : vector<16xi32>
        %add3A_195 = arith.constant 1060439283 : i32
        %add3A_196 = vector.broadcast %add3A_195 : i32 to vector<16xi32>
        %add3A_197 = arith.addi %and3A_194, %add3A_196 : vector<16xi32>
        %bitcast_convert_type3A_198 = tpu.bitcast %add3A_197 : vector<16xi32> -> vector<16xf32>
        %sub3A_199 = arith.constant 1.000000e+00 : f32
        %sub3A_200 = vector.broadcast %sub3A_199 : f32 to vector<16xf32>
        %sub3A_201 = arith.subf %bitcast_convert_type3A_198, %sub3A_200 : vector<16xf32>
        %broadcast_in_dim3A_202 = arith.constant 0.114482306 : f32
        %broadcast_in_dim3A_203 = vector.broadcast %broadcast_in_dim3A_202 : f32 to vector<16xf32>
        %mul3A_204 = arith.mulf %broadcast_in_dim3A_203, %sub3A_201 : vector<16xf32>
        %add3A_205 = arith.constant -1.862740e-01 : f32
        %add3A_206 = vector.broadcast %add3A_205 : f32 to vector<16xf32>
        %add3A_207 = arith.addf %mul3A_204, %add3A_206 : vector<16xf32>
        %mul3A_208 = arith.mulf %add3A_207, %sub3A_201 : vector<16xf32>
        %add3A_209 = arith.constant 0.206117287 : f32
        %add3A_210 = vector.broadcast %add3A_209 : f32 to vector<16xf32>
        %add3A_211 = arith.addf %mul3A_208, %add3A_210 : vector<16xf32>
        %mul3A_212 = arith.mulf %add3A_211, %sub3A_201 : vector<16xf32>
        %add3A_213 = arith.constant -0.249112383 : f32
        %add3A_214 = vector.broadcast %add3A_213 : f32 to vector<16xf32>
        %add3A_215 = arith.addf %mul3A_212, %add3A_214 : vector<16xf32>
        %mul3A_216 = arith.mulf %add3A_215, %sub3A_201 : vector<16xf32>
        %add3A_217 = arith.constant 0.333048195 : f32
        %add3A_218 = vector.broadcast %add3A_217 : f32 to vector<16xf32>
        %add3A_219 = arith.addf %mul3A_216, %add3A_218 : vector<16xf32>
        %mul3A_220 = arith.mulf %add3A_219, %sub3A_201 : vector<16xf32>
        %add3A_221 = arith.constant -0.500012934 : f32
        %add3A_222 = vector.broadcast %add3A_221 : f32 to vector<16xf32>
        %add3A_223 = arith.addf %mul3A_220, %add3A_222 : vector<16xf32>
        %mul3A_224 = arith.mulf %add3A_223, %sub3A_201 : vector<16xf32>
        %add3A_225 = arith.constant 1.0000031 : f32
        %add3A_226 = vector.broadcast %add3A_225 : f32 to vector<16xf32>
        %add3A_227 = arith.addf %mul3A_224, %add3A_226 : vector<16xf32>
        %mul3A_228 = arith.mulf %add3A_227, %sub3A_201 : vector<16xf32>
        %add3A_229 = arith.constant 3.34011609E-8 : f32
        %add3A_230 = vector.broadcast %add3A_229 : f32 to vector<16xf32>
        %add3A_231 = arith.addf %mul3A_228, %add3A_230 : vector<16xf32>
        %convert_element_type3A_232 = arith.sitofp %shift_right_arithmetic3A_191 : vector<16xi32> to vector<16xf32>
        %mul3A_233 = arith.constant 0.693147182 : f32
        %mul3A_234 = vector.broadcast %mul3A_233 : f32 to vector<16xf32>
        %mul3A_235 = arith.mulf %convert_element_type3A_232, %mul3A_234 : vector<16xf32>
        %add3A_236 = arith.addf %mul3A_235, %add3A_231 : vector<16xf32>
        %add3A_237 = arith.addf %scan3A_163, %add3A_236 : vector<16xf32>
        scf.yield %add3A_237, %scan3A_178#8, %scan3A_178#9, %scan3A_178#10, %scan3A_178#11, %scan3A_178#12, %scan3A_178#13, %scan3A_178#14, %scan3A_178#15 : vector<16xf32>, vector<16xi32>, vector<16xi32>, vector<16xi32>, vector<16xi32>, vector<16xi32>, vector<16xi32>, vector<16xi32>, vector<16xi32>
      }
      %scan3A_154 = arith.constant 8 : i32
      %add3A_155 = arith.constant 3 : i32
      %add3A_156 = arith.addi %mul3A_101, %add3A_155 : i32
      %lt3A_157 = arith.constant 8 : i32
      %lt3A_158 = arith.cmpi slt, %add3A_156, %lt3A_157 : i32
      %convert_element_type3A_159 = arith.extui %lt3A_158 : i1 to i32
      %cond3A_160 = arith.constant 0 : i32
      %cond3A_161 = arith.cmpi ne, %convert_element_type3A_159, %cond3A_160 : i32
      scf.if %cond3A_161 {
        %add3A_162 = arith.constant 3 : i32
        %add3A_163 = arith.addi %mul3A_101, %add3A_162 : i32
        %mul3A_164 = arith.constant 8 : i32
        %mul3A_165 = arith.muli %add3A_163, %mul3A_164 : i32
        %add3A_166 = arith.addi %select_n3A_32, %mul3A_165 : i32
        %dma_start3A_167 = arith.constant 0 : i32
        %dma_start3A_168 = tpu.memref_slice %arg2[%select_n3A, %add3A_166, %dma_start3A_167] : memref<8x512x2048xi32, #tpu.memory_space<hbm>> -> memref<1x8x2048xi32, #tpu.memory_space<hbm>>
        %dma_start3A_169 = tpu.memref_squeeze %dma_start3A_168 : memref<1x8x2048xi32, #tpu.memory_space<hbm>> -> memref<8x2048xi32, #tpu.memory_space<hbm>>
        %dma_start3A_170 = arith.constant 0 : i32
        %dma_start3A_171 = tpu.memref_slice %arg2[%select_n3A, %add3A_166, %dma_start3A_170] : memref<8x512x2048xi32, #tpu.memory_space<hbm>> -> memref<1x8x2048xi32, #tpu.memory_space<hbm>>
        %dma_start3A_172 = tpu.memref_squeeze %dma_start3A_171 : memref<1x8x2048xi32, #tpu.memory_space<hbm>> -> memref<8x2048xi32, #tpu.memory_space<hbm>>
        tpu.enqueue_dma source(%dma_start3A_172 : memref<8x2048xi32, #tpu.memory_space<hbm>>) target(%arg6 : memref<8x2048xi32, #tpu.memory_space<vmem>>) target_semaphore(%arg11 : memref<!tpu.dma_semaphore, #tpu.memory_space<semaphore_mem>>)
        %dma_start3A_173 = arith.constant 0 : i32
        %dma_start3A_174 = tpu.memref_slice %arg3[%select_n3A, %add3A_166, %dma_start3A_173] : memref<8x512x2048xf32, #tpu.memory_space<hbm>> -> memref<1x8x2048xf32, #tpu.memory_space<hbm>>
        %dma_start3A_175 = tpu.memref_squeeze %dma_start3A_174 : memref<1x8x2048xf32, #tpu.memory_space<hbm>> -> memref<8x2048xf32, #tpu.memory_space<hbm>>
        %dma_start3A_176 = arith.constant 0 : i32
        %dma_start3A_177 = tpu.memref_slice %arg3[%select_n3A, %add3A_166, %dma_start3A_176] : memref<8x512x2048xf32, #tpu.memory_space<hbm>> -> memref<1x8x2048xf32, #tpu.memory_space<hbm>>
        %dma_start3A_178 = tpu.memref_squeeze %dma_start3A_177 : memref<1x8x2048xf32, #tpu.memory_space<hbm>> -> memref<8x2048xf32, #tpu.memory_space<hbm>>
        tpu.enqueue_dma source(%dma_start3A_178 : memref<8x2048xf32, #tpu.memory_space<hbm>>) target(%arg8 : memref<8x2048xf32, #tpu.memory_space<vmem>>) target_semaphore(%arg13 : memref<!tpu.dma_semaphore, #tpu.memory_space<semaphore_mem>>)
      } else {
      }
      scf.yield %scan3A_153#0, %scan3A_153#1, %scan3A_153#2, %scan3A_153#3, %scan3A_153#4, %scan3A_153#5, %scan3A_153#6, %scan3A_153#7, %scan3A_153#8 : vector<16xf32>, vector<16xi32>, vector<16xi32>, vector<16xi32>, vector<16xi32>, vector<16xi32>, vector<16xi32>, vector<16xi32>, vector<16xi32>
    }
    %scan3A_67 = arith.constant 4 : i32
    %add3A_68 = arith.addi %scan3A_66#1, %scan3A_66#2 : vector<16xi32>
    %add3A_69 = arith.addi %scan3A_66#5, %scan3A_66#6 : vector<16xi32>
    %add3A_70 = arith.addi %add3A_68, %scan3A_66#3 : vector<16xi32>
    %add3A_71 = arith.addi %add3A_69, %scan3A_66#7 : vector<16xi32>
    %add3A_72 = arith.addi %add3A_70, %scan3A_66#4 : vector<16xi32>
    %add3A_73 = arith.addi %add3A_71, %scan3A_66#8 : vector<16xi32>
    %swap3A = arith.constant 0 : index
    %swap3A_74 = tpu.vector_load %arg9[%swap3A] {strides = array<i32>} : memref<48xf32, #tpu.memory_space<vmem>>, vector<16xf32>,
    %swap3A_75 = vector.shape_cast %swap3A_74 : vector<16xf32> to vector<16xf32>
    %swap3A_76 = vector.shape_cast %scan3A_66#0 : vector<16xf32> to vector<16xf32>
    tpu.vector_store %arg9[%swap3A], %swap3A_76 {strides = array<i32>} : memref<48xf32, #tpu.memory_space<vmem>>, vector<16xf32>,
    %convert_element_type3A = arith.sitofp %add3A_72 : vector<16xi32> to vector<16xf32>
    %swap3A_77 = arith.constant 16 : index
    %swap3A_78 = tpu.vector_load %arg9[%swap3A_77] {strides = array<i32>} : memref<48xf32, #tpu.memory_space<vmem>>, vector<16xf32>,
    %swap3A_79 = vector.shape_cast %swap3A_78 : vector<16xf32> to vector<16xf32>
    %swap3A_80 = vector.shape_cast %convert_element_type3A : vector<16xf32> to vector<16xf32>
    tpu.vector_store %arg9[%swap3A_77], %swap3A_80 {strides = array<i32>} : memref<48xf32, #tpu.memory_space<vmem>>, vector<16xf32>,
    %convert_element_type3A_81 = arith.sitofp %add3A_73 : vector<16xi32> to vector<16xf32>
    %swap3A_82 = arith.constant 32 : index
    %swap3A_83 = tpu.vector_load %arg9[%swap3A_82] {strides = array<i32>} : memref<48xf32, #tpu.memory_space<vmem>>, vector<16xf32>,
    %swap3A_84 = vector.shape_cast %swap3A_83 : vector<16xf32> to vector<16xf32>
    %swap3A_85 = vector.shape_cast %convert_element_type3A_81 : vector<16xf32> to vector<16xf32>
    tpu.vector_store %arg9[%swap3A_82], %swap3A_85 {strides = array<i32>} : memref<48xf32, #tpu.memory_space<vmem>>, vector<16xf32>,
    %mul3A_86 = arith.constant 3 : i32
    %mul3A_87 = arith.muli %add3A, %mul3A_86 : i32
    %mul3A_88 = arith.constant 16 : i32
    %mul3A_89 = arith.muli %mul3A_87, %mul3A_88 : i32
    "tpu.region"() ({
      %run_scoped3A = tpu.sem_alloc : memref<!tpu.dma_semaphore, #tpu.memory_space<semaphore_mem>>
      %dma_start3A_90 = tpu.memref_slice %arg4[%mul3A_89] : memref<1536xf32, #tpu.memory_space<hbm>> -> memref<48xf32, #tpu.memory_space<hbm>>
      %dma_start3A_91 = tpu.memref_slice %arg4[%mul3A_89] : memref<1536xf32, #tpu.memory_space<hbm>> -> memref<48xf32, #tpu.memory_space<hbm>>
      tpu.enqueue_dma source(%arg9 : memref<48xf32, #tpu.memory_space<vmem>>) target(%dma_start3A_91 : memref<48xf32, #tpu.memory_space<hbm>>) target_semaphore(%run_scoped3A : memref<!tpu.dma_semaphore, #tpu.memory_space<semaphore_mem>>)
      %dma_wait3A = tpu.memref_slice %arg4[%mul3A_89] : memref<1536xf32, #tpu.memory_space<hbm>> -> memref<48xf32, #tpu.memory_space<hbm>>
      %dma_wait3A_92 = tpu.memref_slice %arg4[%mul3A_89] : memref<1536xf32, #tpu.memory_space<hbm>> -> memref<48xf32, #tpu.memory_space<hbm>>
      tpu.wait_dma2 semaphore(%run_scoped3A : memref<!tpu.dma_semaphore, #tpu.memory_space<semaphore_mem>>) src(%arg9 : memref<48xf32, #tpu.memory_space<vmem>>) dst(%dma_wait3A_92 : memref<48xf32, #tpu.memory_space<hbm>>)
      tpu.yield
    }) : () -> ()
    return
  }
}

module attributes {stable_mosaic.version = 14 : i64} {
  func.func @_tc_body(%arg0: i32, %arg1: memref<1x512x2048xi32, #tpu.memory_space<vmem>>, %arg2: memref<1x512x2048xf32, #tpu.memory_space<vmem>>, %arg3: memref<1x1xf32, #tpu.memory_space<smem>>, %arg4: memref<1x1xi32, #tpu.memory_space<smem>>, %arg5: memref<1x2048xf32, #tpu.memory_space<vmem>>, %arg6: memref<1x2048xi32, #tpu.memory_space<vmem>>) attributes {dimension_semantics = [#tpu.dimension_semantics<arbitrary>], iteration_bounds = array<i64: 4>, scalar_prefetch = 0 : i64, scratch_operands = 2 : i64, tpu.core_type = #tpu.core_type<tc>, window_params = [{transform_indices = @transform_0, window_bounds = array<i64: 1, 512, 2048>}, {transform_indices = @transform_1, window_bounds = array<i64: 1, 512, 2048>}, {transform_indices = @transform_2, window_bounds = array<i64: 1, 1>}, {transform_indices = @transform_3, window_bounds = array<i64: 1, 1>}]} {
    %eq3A = arith.constant 0 : i32
    %eq3A_0 = arith.cmpi eq, %arg0, %eq3A : i32
    %convert_element_type3A = arith.extui %eq3A_0 : i1 to i32
    %cond3A = arith.constant 0 : i32
    %cond3A_1 = arith.cmpi ne, %convert_element_type3A, %cond3A : i32
    scf.if %cond3A_1 {
      %broadcast_in_dim3A_38 = arith.constant 0.000000e+00 : f32
      %broadcast_in_dim3A_39 = vector.broadcast %broadcast_in_dim3A_38 : f32 to vector<1x2048xf32>
      %swap3A_40 = arith.constant 0 : index
      %swap3A_41 = arith.constant 0 : index
      %swap3A_42 = vector.load %arg5[%swap3A_40, %swap3A_41] : memref<1x2048xf32, #tpu.memory_space<vmem>>, vector<1x2048xf32>
      tpu.vector_store %arg5[%swap3A_40, %swap3A_41], %broadcast_in_dim3A_39 {strides = array<i32>} : memref<1x2048xf32, #tpu.memory_space<vmem>>, vector<1x2048xf32>,
      %broadcast_in_dim3A_43 = arith.constant 0 : i32
      %broadcast_in_dim3A_44 = vector.broadcast %broadcast_in_dim3A_43 : i32 to vector<1x2048xi32>
      %swap3A_45 = arith.constant 0 : index
      %swap3A_46 = arith.constant 0 : index
      %swap3A_47 = vector.load %arg6[%swap3A_45, %swap3A_46] : memref<1x2048xi32, #tpu.memory_space<vmem>>, vector<1x2048xi32>
      tpu.vector_store %arg6[%swap3A_45, %swap3A_46], %broadcast_in_dim3A_44 {strides = array<i32>} : memref<1x2048xi32, #tpu.memory_space<vmem>>, vector<1x2048xi32>,
    } else {
    }
    %get3A = arith.constant 0 : index
    %get3A_2 = arith.constant 0 : index
    %get3A_3 = arith.constant 0 : index
    %get3A_4 = vector.load %arg1[%get3A, %get3A_2, %get3A_3] : memref<1x512x2048xi32, #tpu.memory_space<vmem>>, vector<1x512x2048xi32>
    %get3A_5 = vector.shape_cast %get3A_4 : vector<1x512x2048xi32> to vector<512x2048xi32>
    %get3A_6 = arith.constant 0 : index
    %get3A_7 = arith.constant 0 : index
    %get3A_8 = arith.constant 0 : index
    %get3A_9 = vector.load %arg2[%get3A_6, %get3A_7, %get3A_8] : memref<1x512x2048xf32, #tpu.memory_space<vmem>>, vector<1x512x2048xf32>
    %get3A_10 = vector.shape_cast %get3A_9 : vector<1x512x2048xf32> to vector<512x2048xf32>
    %max3A = arith.constant 9.99999996E-13 : f32
    %max3A_11 = vector.broadcast %max3A : f32 to vector<512x2048xf32>
    %max3A_12 = arith.maximumf %get3A_10, %max3A_11 : vector<512x2048xf32>
    %log3A = math.log %max3A_12 : vector<512x2048xf32>
    %eq3A_13 = arith.constant 1 : i32
    %eq3A_14 = vector.broadcast %eq3A_13 : i32 to vector<512x2048xi32>
    %eq3A_15 = arith.cmpi eq, %get3A_5, %eq3A_14 : vector<512x2048xi32>
    %jit3A = arith.constant 0.000000e+00 : f32
    %broadcast_in_dim3A = vector.broadcast %jit3A : f32 to vector<512x2048xf32>
    %select_n3A = arith.select %eq3A_15, %log3A, %broadcast_in_dim3A : vector<512x2048xi1>, vector<512x2048xf32>
    %get3A_16 = arith.constant 0 : index
    %get3A_17 = arith.constant 0 : index
    %get3A_18 = vector.load %arg5[%get3A_16, %get3A_17] : memref<1x2048xf32, #tpu.memory_space<vmem>>, vector<1x2048xf32>
    %reduce_sum3A = arith.constant dense<0.000000e+00> : vector<2048xf32>
    %reduce_sum3A_19 = vector.multi_reduction <add>, %select_n3A, %reduce_sum3A [0] : vector<512x2048xf32> to vector<2048xf32>
    %broadcast_in_dim3A_20 = vector.shape_cast %reduce_sum3A_19 : vector<2048xf32> to vector<1x2048xf32>
    %add3A = arith.addf %get3A_18, %broadcast_in_dim3A_20 : vector<1x2048xf32>
    %swap3A = arith.constant 0 : index
    %swap3A_21 = arith.constant 0 : index
    %swap3A_22 = vector.load %arg5[%swap3A, %swap3A_21] : memref<1x2048xf32, #tpu.memory_space<vmem>>, vector<1x2048xf32>
    tpu.vector_store %arg5[%swap3A, %swap3A_21], %add3A {strides = array<i32>} : memref<1x2048xf32, #tpu.memory_space<vmem>>, vector<1x2048xf32>,
    %get3A_23 = arith.constant 0 : index
    %get3A_24 = arith.constant 0 : index
    %get3A_25 = vector.load %arg6[%get3A_23, %get3A_24] : memref<1x2048xi32, #tpu.memory_space<vmem>>, vector<1x2048xi32>
    %reduce_sum3A_26 = arith.constant dense<0> : vector<2048xi32>
    %reduce_sum3A_27 = vector.multi_reduction <add>, %get3A_5, %reduce_sum3A_26 [0] : vector<512x2048xi32> to vector<2048xi32>
    %broadcast_in_dim3A_28 = vector.shape_cast %reduce_sum3A_27 : vector<2048xi32> to vector<1x2048xi32>
    %add3A_29 = arith.addi %get3A_25, %broadcast_in_dim3A_28 : vector<1x2048xi32>
    %swap3A_30 = arith.constant 0 : index
    %swap3A_31 = arith.constant 0 : index
    %swap3A_32 = vector.load %arg6[%swap3A_30, %swap3A_31] : memref<1x2048xi32, #tpu.memory_space<vmem>>, vector<1x2048xi32>
    tpu.vector_store %arg6[%swap3A_30, %swap3A_31], %add3A_29 {strides = array<i32>} : memref<1x2048xi32, #tpu.memory_space<vmem>>, vector<1x2048xi32>,
    %eq3A_33 = arith.constant 3 : i32
    %eq3A_34 = arith.cmpi eq, %arg0, %eq3A_33 : i32
    %convert_element_type3A_35 = arith.extui %eq3A_34 : i1 to i32
    %cond3A_36 = arith.constant 0 : i32
    %cond3A_37 = arith.cmpi ne, %convert_element_type3A_35, %cond3A_36 : i32
    scf.if %cond3A_37 {
      %get3A_38 = arith.constant 0 : index
      %get3A_39 = arith.constant 0 : index
      %get3A_40 = vector.load %arg5[%get3A_38, %get3A_39] : memref<1x2048xf32, #tpu.memory_space<vmem>>, vector<1x2048xf32>
      %reduce_sum3A_41 = vector.shape_cast %get3A_40 : vector<1x2048xf32> to vector<1x1x2048xf32>
      %reduce_sum3A_42 = arith.constant dense<0.000000e+00> : vector<1xf32>
      %reduce_sum3A_43 = vector.multi_reduction <add>, %reduce_sum3A_41, %reduce_sum3A_42 [1, 2] : vector<1x1x2048xf32> to vector<1xf32>
      %reduce_sum3A_44 = vector.shape_cast %reduce_sum3A_43 : vector<1xf32> to vector<1x1x1xf32>
      %reduce_sum3A_45 = vector.extract %reduce_sum3A_44[0, 0, 0] : f32 from vector<1x1x1xf32>
      %swap3A_46 = arith.constant 0 : index
      %swap3A_47 = arith.constant 0 : index
      %swap3A_48 = memref.load %arg3[%swap3A_46, %swap3A_47] : memref<1x1xf32, #tpu.memory_space<smem>>
      memref.store %reduce_sum3A_45, %arg3[%swap3A_46, %swap3A_47] : memref<1x1xf32, #tpu.memory_space<smem>>
      %get3A_49 = arith.constant 0 : index
      %get3A_50 = arith.constant 0 : index
      %get3A_51 = vector.load %arg6[%get3A_49, %get3A_50] : memref<1x2048xi32, #tpu.memory_space<vmem>>, vector<1x2048xi32>
      %reduce_sum3A_52 = vector.shape_cast %get3A_51 : vector<1x2048xi32> to vector<1x1x2048xi32>
      %reduce_sum3A_53 = arith.constant dense<0> : vector<1xi32>
      %reduce_sum3A_54 = vector.multi_reduction <add>, %reduce_sum3A_52, %reduce_sum3A_53 [1, 2] : vector<1x1x2048xi32> to vector<1xi32>
      %reduce_sum3A_55 = vector.shape_cast %reduce_sum3A_54 : vector<1xi32> to vector<1x1x1xi32>
      %reduce_sum3A_56 = vector.extract %reduce_sum3A_55[0, 0, 0] : i32 from vector<1x1x1xi32>
      %swap3A_57 = arith.constant 0 : index
      %swap3A_58 = arith.constant 0 : index
      %swap3A_59 = memref.load %arg4[%swap3A_57, %swap3A_58] : memref<1x1xi32, #tpu.memory_space<smem>>
      memref.store %reduce_sum3A_56, %arg4[%swap3A_57, %swap3A_58] : memref<1x1xi32, #tpu.memory_space<smem>>
    } else {
    }
    return
  }
  func.func @transform_0(%arg0: i32) -> (i32, i32, i32) {
    %add3A = arith.constant 4 : i32
    %add3A_0 = arith.addi %add3A, %arg0 : i32
    %c0_i32 = arith.constant 0 : i32
    %c0_i32_1 = arith.constant 0 : i32
    %c0_i32_2 = arith.constant 0 : i32
    return %add3A_0, %c0_i32, %c0_i32_1 : i32, i32, i32
  }
  func.func @transform_1(%arg0: i32) -> (i32, i32, i32) {
    %add3A = arith.constant 4 : i32
    %add3A_0 = arith.addi %add3A, %arg0 : i32
    %c0_i32 = arith.constant 0 : i32
    %c0_i32_1 = arith.constant 0 : i32
    %c0_i32_2 = arith.constant 0 : i32
    return %add3A_0, %c0_i32, %c0_i32_1 : i32, i32, i32
  }
  func.func @transform_2(%arg0: i32) -> (i32, i32) {
    %c0_i32 = arith.constant 0 : i32
    %c0_i32_0 = arith.constant 0 : i32
    %c0_i32_1 = arith.constant 0 : i32
    return %c0_i32, %c0_i32_0 : i32, i32
  }
  func.func @transform_3(%arg0: i32) -> (i32, i32) {
    %c0_i32 = arith.constant 0 : i32
    %c0_i32_0 = arith.constant 0 : i32
    %c0_i32_1 = arith.constant 0 : i32
    return %c0_i32, %c0_i32_0 : i32, i32
  }
}

</mosaic_0001>

<sc_bundles>
// kernel: kernel.4.cloned.1.call-start
scs
__scs_entry_jumppad:
0x0: {  	(pc) =	sbr.rel $0x88, $3  }
0x1: {  	(tag) =	ssettag $0x0;
	lr =	simm.s32 $0x1  }
0x2: {  	[smem:$0x3F9F] =	sst lr;
	_ =	strace $0xD0000000  }
0x3: {  	_ = 	snop  }
0x4: {  	_ = 	snop  }
0x5: {  	_ = 	snop  }
0x6: {  	_ = 	snop  }
0x7: {  	_ = 	snop  }
__scs_overlays_trampoline_lowered:
0x8: {  	[smem:$0x3FAE] =	sst s0  }
0x9: {  	[smem:$0x3FAF] =	sst s1  }
0xa: {  	[smem:$0x3FB0] =	sst s2  }
0xb: {  	[smem:$0x3FB1] =	sst s3  }
0xc: {  	[smem:$0x3FB2] =	sst s4  }
0xd: {  	[smem:$0x3FB3] =	sst s5  }
0xe: {  	[smem:$0x3FB4] =	sst s6  }
0xf: {  	[smem:$0x3FB5] =	sst s7  }
0x10: {  	[smem:$0x3FB6] =	sst s8  }
0x11: {  	[smem:$0x3FB7] =	sst s9;
	s0 =	simm.s32 @!p0 $0x0  }
0x12: {  	s1 =	sld [smem:$0x3F9D];
	s0 =	simm.s32 @p0 $0x1  }
0x13: {  	[smem:$0x3FB8] =	sst s0;
	s0 =	simm.s32 @!p1 $0x0  }
0x14: {  	s2 =	sld [smem:$0x3F9C];
	s0 =	simm.s32 @p1 $0x1  }
0x15: {  	[smem:$0x3FB9] =	sst s0;
	s0 =	simm.s32 @!p2 $0x0  }
0x16: {  	s3 =	sld [smem:$0x3FDB];
	s0 =	simm.s32 @p2 $0x1  }
0x17: {  	s4 =	simm.s32 $0x1BF5;
	[smem:$0x3FBB] =	sst s0  }
0x18: {  	s0 =	sld [smem:$0x3F9E];
	_ =	swait.ge [sflag:s4], $0x0  }
0x19: {  	s7 =	sld [smem:$0x3F9F]  }
0x1a: {  	s8 =	sadd.s32 $0xFFFFE003, lr  }
0x1b: {  	s9 =	sadd.s32 $0xFFFFFEF7, lr;
	s5 =	simm.s32 $0xFFFFFFFF;
	p2 =	slt.u32 s8, $0xFFFFF086  }
0x1c: {  	p1 =	slt.u32 s9, $0xF7A;
	s5 =	simm.s32 @!p2 $0x0  }
0x1d: {  	s5 =	simm.s32 @p1 $0x1;
	p0 =	seq.s32 s7, s2  }
0x1e: {  	s7 =	smul.u32 @!p0 $0xF7A, s2;
	p2 =	seq.s32 @!p0 s5, $0x0  }
0x1f: {  	s9 =	smul.u32 $0xF7A, s1;
	s8 =	simm.s32 @!p0 $0x1BF5;
	p2 =	por !p2, p0  }
0x20: {  	[sflag:s8] =	ssyncset.s32 @!p0 $0xFFFFF086;
	s6 =	sadd.s32 @!p0 s3, s7;
	s7 =	simm.s32 @!p0 $0x108  }
0x21: {  	s3 =	sadd.s32 s3, s9;
	s6 =	sadd.s32 @!p0 $0x88, s6;
	s7 =	simm.s32 @p2 $0x1082  }
0x22: {  	[simem:s7], [sflag:s8] =	dma.local @!p0 [hbm:s6], $0xF7A  }
0x23: {  	s9 =	sor.u32 $0xD0000000, s2;
	s6 =	simm.s32 $0x108;
	_ =	swait.ge @!p0 [sflag:s8], $0x0  }
0x24: {  	s3 =	sadd.s32 $0x88, s3;
	s6 =	simm.s32 @!p1 $0x1082;
	[sflag:s4] =	ssyncset.s32 $0xFFFFF086  }
0x25: {  	[simem:s6], [sflag:s4] =	dma.local [hbm:s3], $0xF7A  }
0x26: {  	[smem:$0x3F9F] =	sst s1;
	(tag) =	ssettag s2;
	_ =	strace s9  }
0x27: {  	s1 =	sld [smem:$0x3FAF]  }
0x28: {  	s2 =	sld [smem:$0x3FB0]  }
0x29: {  	s4 =	sld [smem:$0x3FB2]  }
0x2a: {  	p0 =	seq.s32 s5, $0x0;
	s5 =	sld [smem:$0x3FB3]  }
0x2b: {  	s6 =	sld [smem:$0x3FB4]  }
0x2c: {  	s7 =	sld [smem:$0x3FB5]  }
0x2d: {  	s3 =	simm.s32 $0x108;
	s8 =	sld [smem:$0x3FB6]  }
0x2e: {  	s3 =	simm.s32 @!p0 $0x1082;
	s9 =	sld [smem:$0x3FB7]  }
0x2f: {  	lr =	sadd.s32 s0, s3;
	s0 =	sld [smem:$0x3FAE]  }
0x30: {  	s3 =	sld [smem:$0x3FB1]  }
0x31: {  	[smem:$0x3FBA] =	sst s10  }
0x32: {  	s10 =	sld [smem:$0x3FB8];
	_ =	sdelay $0x3  }
0x33: {  	p0 =	seq.s32 s10, $0x1;
	s10 =	sld [smem:$0x3FBA];
	_ =	sdelay $0x3  }
0x34: {  	[smem:$0x3FBA] =	sst s10  }
0x35: {  	s10 =	sld [smem:$0x3FB9];
	_ =	sdelay $0x3  }
0x36: {  	p1 =	seq.s32 s10, $0x1;
	s10 =	sld [smem:$0x3FBA];
	_ =	sdelay $0x3  }
0x37: {  	[smem:$0x3FBA] =	sst s10  }
0x38: {  	s10 =	sld [smem:$0x3FBB]  }
0x39: {  	_ = 	snop;
	(pc) =	sbr.ind lr, $3  }
0x3a: {  	_ = 	snop  }
0x3b: {  	_ = 	snop  }
0x3c: {  	p2 =	seq.s32 s10, $0x1;
	s10 =	sld [smem:$0x3FBA]  }
0x3d: {  	_ =	shalt  }
0x3e: {  	_ =	shalt  }
0x3f: {  	_ =	shalt  }
0x40: {  	_ =	shalt  }
0x41: {  	_ =	shalt  }
0x42: {  	_ =	shalt  }
0x43: {  	_ =	shalt  }
0x44: {  	_ =	shalt  }
0x45: {  	_ =	shalt  }
0x46: {  	_ =	shalt  }
0x47: {  	_ =	shalt  }
0x48: {  	_ =	shalt  }
0x49: {  	_ =	shalt  }
0x4a: {  	_ =	shalt  }
0x4b: {  	_ =	shalt  }
0x4c: {  	_ =	shalt  }
0x4d: {  	_ =	shalt  }
0x4e: {  	_ =	shalt  }
0x4f: {  	_ =	shalt  }
0x50: {  	_ =	shalt  }
0x51: {  	_ =	shalt  }
0x52: {  	_ =	shalt  }
0x53: {  	_ =	shalt  }
0x54: {  	_ =	shalt  }
0x55: {  	_ =	shalt  }
0x56: {  	_ =	shalt  }
0x57: {  	_ =	shalt  }
0x58: {  	_ =	shalt  }
0x59: {  	_ =	shalt  }
0x5a: {  	_ =	shalt  }
0x5b: {  	_ =	shalt  }
0x5c: {  	_ =	shalt  }
0x5d: {  	_ =	shalt  }
0x5e: {  	_ =	shalt  }
0x5f: {  	_ =	shalt  }
0x60: {  	_ =	shalt  }
0x61: {  	_ =	shalt  }
0x62: {  	_ =	shalt  }
0x63: {  	_ =	shalt  }
0x64: {  	_ =	shalt  }
0x65: {  	_ =	shalt  }
0x66: {  	_ =	shalt  }
0x67: {  	_ =	shalt  }
0x68: {  	_ =	shalt  }
0x69: {  	_ =	shalt  }
0x6a: {  	_ =	shalt  }
0x6b: {  	_ =	shalt  }
0x6c: {  	_ =	shalt  }
0x6d: {  	_ =	shalt  }
0x6e: {  	_ =	shalt  }
0x6f: {  	_ =	shalt  }
0x70: {  	_ =	shalt  }
0x71: {  	_ =	shalt  }
0x72: {  	_ =	shalt  }
0x73: {  	_ =	shalt  }
0x74: {  	_ =	shalt  }
0x75: {  	_ =	shalt  }
0x76: {  	_ =	shalt  }
0x77: {  	_ =	shalt  }
0x78: {  	_ =	shalt  }
0x79: {  	_ =	shalt  }
0x7a: {  	_ =	shalt  }
0x7b: {  	_ =	shalt  }
0x7c: {  	_ =	shalt  }
0x7d: {  	_ =	shalt  }
0x7e: {  	_ =	shalt  }
0x7f: {  	_ =	shalt  }
0x80: {  	_ =	shalt  }
0x81: {  	_ =	shalt  }
0x82: {  	_ =	shalt  }
0x83: {  	_ =	shalt  }
0x84: {  	_ =	shalt  }
0x85: {  	_ =	shalt  }
0x86: {  	_ =	shalt  }
0x87: {  	_ =	shalt  }
.Lfunc_end0:
.L_simem_size_0:
called_computation_lowered:
.L_overlay_start_0:
0x88: {  	s2 =	sld [smem:$0x3FD9]  }
0x89: {  	s3 =	sld [smem:$0x3FFE];
	_ =	sdelay $0x1  }
0x8a: {  	s1 =	srdreg.scid  }
0x8b: {  	s0 =	sand.u32 $0x1, s1  }
0x8c: {  	s17 =	sshll.u32 s0, $0xA;
	s2 =	sadd.s32 s3, s2  }
0x8d: {  	s2 =	sadd.s32 s2, s17  }
0x8e: {  	[smem:$0x3FC6] =	sst s2  }
0x8f: {  	_ = 	snop  }
0x90: {  	s2 =	sld [smem:$0x3FC9]  }
0x91: {  	s18 =	sld [smem:$0x3FC8];
	(tm) =	ssettm $0x1  }
0x92: {  	s4 =	sld [smem:$0x3FFB];
	_ =	sdelay $0x3  }
0x93: {  	_ =	strace s4  }
0x94: {  	s4 =	sld [smem:$0x3FFC];
	_ =	sdelay $0x3  }
0x95: {  	_ =	strace s4  }
0x96: {  	s4 =	sld [smem:$0x3FFD];
	_ =	sdelay $0x3  }
0x97: {  	_ =	strace s4  }
0x98: {  	_ =	strace $0x8FFFFFFF  }
0x99: {  	s19 =	sld [smem:$0x3FDB];
	_ =	sdelay $0x1  }
0x9a: {  	s5 =	simm.s32 $_scs_section_size  }
0x9b: {  	s6 =	simm.s32 $_size__tile_overlayer_lowered;
	s7 =	simm.s32 $_tile_overlayer_lowered  }
0x9c: {  	s22 =	simm.s32 $0x1BFF;
	s21 =	sshll.u32 s7, $0x1;
	s4 =	sadd.s32 s5, s19  }
0x9d: {  	s8 =	simm.s32 $0x0;
	s20 =	sshll.u32 s6, $0x1;
	s6 =	sadd.s32 s21, s4  }
0x9e: {  	[timem:s8], [sflag:s22] =	dma.local [hbm:s6], s20  }
0x9f: {  	_ =	swait.ge [sflag:s22], s20  }
0xa0: {  	s5 =	ssub.s32 $0x0, s20;
	[sflag:s22] =	ssyncset.done $0x0  }
0xa1: {  	[sflag:s22] =	ssyncadd.s32 s5;
	_ =	sdelay $0x1  }
0xa2: {  	s23 =	simm.s32 $0x1B8B  }
0xa3: {  	_ =	swait.ge [sflag:s23], $0x1  }
0xa4: {  	[sflag:s23] =	ssyncset.done $0x0  }
0xa5: {  	s25 =	simm.s32 $0x1B8E;
	s24 =	sld [smem:$0x3FFE];
	[sflag:s23] =	ssyncadd.s32 $0xFFFFFFFF  }
0xa6: {  	s26 =	simm.s32 $execute0_lowered;
	[smem:$0x3FD2] =	sst s25  }
0xa7: {  	s6 =	sshll.u32 s26, $0x1;
	_ =	strace $0x80000046;
	[dreg:$0x1] =	wrdreg $0xFFFFFFFF  }
0xa8: {  	s28 =	simm.s32 $_size_execute0_lowered;
	s4 =	sadd.s32 s4, s6;
	[dreg:$0x0] =	wrdreg $0x0  }
0xa9: {  	s6 =	sshll.u32 s28, $0x1;
	[dreg:$0x2] =	wrdreg s4  }
0xaa: {  	[dreg:$0x3] =	wrdreg s6  }
0xab: {  	[dreg:$0x4] =	wrdreg $0xC0  }
0xac: {  	_ =	task [dreg:s8], $0x5FFFF  }
0xad: {  	[dreg:$0x1] =	wrdreg $0xFFFFFFFF  }
0xae: {  	[dreg:$0x0] =	wrdreg $0x60  }
0xaf: {  	[dreg:$0x2] =	wrdreg s2  }
0xb0: {  	[dreg:$0x3] =	wrdreg s18  }
0xb1: {  	[dreg:$0x4] =	wrdreg s24  }
0xb2: {  	[dreg:$0x5] =	wrdreg $0x9  }
0xb3: {  	_ =	task.clear_ibuf [dreg:s8], $0x6FFFF;
	_ =	strace $0x90000046  }
0xb4: {  	s29 =	simm.s32 $0x9;
	_ =	strace $0x80000048  }
0xb5: {  	_ =	swait.ge [sflag:s29], $0x1  }
0xb6: {  	[sflag:s29] =	ssyncadd.s32 $0xFFFFFFFF  }
0xb7: {  	_ =	strace $0x90000048  }
0xb8: {  	_ =	sfence  }
0xb9: {  	s30 =	sld [smem:$0x0];
	_ =	sdelay $0x2  }
0xba: {  	s31 =	sshll.u32 s1, $0xD;
	s1 =	sshrl.u32 s1, $0x2  }
0xbb: {  	s3 =	sand.u32 $0x4000, s31;
	s1 =	sadd.s32 s1, s30  }
0xbc: {  	s0 =	sor.u32 s3, s0;
	s1 =	sshll.u32 s1, $0x11  }
0xbd: {  	s0 =	sor.u32 s1, s0  }
0xbe: {  	s0 =	sadd.s32 $0x8F2B, s0  }
0xbf: {  	[sflag:s0] =	ssyncadd.remote.s32 $0x1  }
0xc0: {  	_ =	sfence.sel $0xFFFF  }
0xc1: {  	[dreg:$0x0] =	wrdreg $0xFFFFFFFF;
	(pc) =	sbr.abs _section_cstart, $3  }
0xc2: {  	[dreg:$0x1] =	wrdreg $0xFFFFFFFF  }
0xc3: {  	_ =	task.clear_ibuf [dreg:s8], $0x2FFFF;
	_ =	strace $0x9FFFFFFF  }
0xc4: {  	(tm) =	ssettm $0x7FFFFFFF  }
0xc5: {  	_ =	shalt  }
tec
execute0_lowered:
.L_overlay_start_1:
0x0: {  	(tag) =	ssettag $0x1  }
0x1: {  	s0 =	rddreg [dreg:$0x0]  }
0x2: {  	s1 =	srdreg.scid;
	s3 =	rddreg [dreg:$0x1]  }
0x3: {  	s12 =	rddreg [dreg:$0x2];
	s2 =	stileid.u32  }
0x4: {  	s16 =	simm.s32 $0xC000;
	s17 =	simm.s32 $0x1;
	s18 =	simm.s32 $0x3  }
0x5: {  	s19 =	simm.s32 $0x2;
	s20 =	simm.s32 $0x4;
	s21 =	simm.s32 $0x10000  }
0x6: {  	s22 =	simm.s32 $0x5;
	s23 =	simm.s32 $0x0;
	s5 =	sand.u32 $0x1, s1  }
0x7: {  	s1 =	rddreg [dreg:$0x3];
	s6 =	sshll.u32 s2, $0x6;
	s4 =	sshll.u32 s5, $0x4  }
0x8: {  	s10 =	sand.u32 $0x1C0, s6;
	s7 =	ssub.s32 $0x2, s5;
	s9 =	sor.u32 s2, s4  }
0x9: {  	s4 =	simm.s32 $0x0;
	s30 =	sshll.u32 s10, $0xB;
	s8 =	sshrl.u32 s7, $0x1  }
0xa: {  	s14 =	sshrl.u32 s10, $0x3;
	s29 =	sshll.u32 s9, $0x11;
	[smem:$0x7FF] =	sst s4  }
0xb: {  	s13 =	ssub.s32 s7, s8;
	s15 =	smul.u32 $0x6, s9;
	s5 =	sand.u32 $0x300000, s29  }
.Ltmp0:
0xc: {  	s10 =	sor.u32 $0x2, s14;
	s6 =	sor.u32 s30, s5;
	(pc) =	sbr.rel .LBB2_1-.Ltmp0, $4  }
0xd: {  	_ =	strace $0x80000047;
	s13 =	smax.u32 s13, $0x1;
	s31 =	sshrl.u32 s6, $0x3  }
0xe: {  	s12 =	sadd.s32 s12, s15;
	s15 =	simm.s32 $0x4000;
	s11 =	sor.u32 $0x800, s31  }
0xf: {  	s6 =	sadd.s32 s0, s31;
	s7 =	sadd.s32 s3, s31;
	s8 =	sadd.s32 s0, s11  }
0x10: {  	s9 =	sadd.s32 s3, s11;
	s11 =	sor.u32 $0x3, s14;
	s14 =	simm.s32 $0x8000  }
.LBB2_12:
0x11: {  	v2 =	vadd.s32 v4, v2  }
0x12: {  	v1 =	vadd.s32 v1, v6;
	v2 =	vadd.s32 v3, v2  }
0x13: {  	v1 =	vadd.s32 v12, v1;
	v2 =	vadd.s32 v7, v2  }
0x14: {  	v1 =	vadd.s32 v5, v1;
	v2 =	vcvt.s32.f32 v2  }
0x15: {  	[tilespmem:$0x10000] =	vst v0;
	s23 =	sadd.s32 $0x1, s23;
	v63 =	vcvt.s32.f32 v1  }
0x16: {  	p0 =	sne.s32 s23, s13;
	[tilespmem:$0x10010] =	vst v2  }
.Ltmp1:
0x17: {  	[tilespmem:$0x10020] =	vst v63;
	(pc) =	sbr.rel @!p0 .LBB2_13-.Ltmp1, $4  }
0x18: {  	[hbm4b:s12+s4] =	stream.linear.scatter [tilespmem:s21], [sflag:$0x5], $0x30, $0x38;
	[tilespmem:$0x10080] =	vst v63  }
0x19: {  	_ =	swait.ge [sflag:s22], $0x30  }
0x1a: {  	[sflag:s22] =	ssyncset.done $0x0  }
0x1b: {  	[sflag:s22] =	ssyncadd.s32 $0xFFFFFFD0  }
.LBB2_1:
0x1c: {  	[tilespmem:s4], [sflag:$0x1] =	stream.linear.gather [hbm4b:s6+s4], $0x4000, $0x38;
	[tilespmem:$0x10080] =	vst v63  }
0x1d: {  	_ = 	snop  }
0x1e: {  	[tilespmem:s14], [sflag:$0x3] =	stream.linear.gather [hbm4b:s7+s4], $0x4000, $0x38;
	[tilespmem:$0x10080] =	vst v63  }
0x1f: {  	_ = 	snop  }
0x20: {  	v0 =	vimm.f32 $0.0e+00;
	v5 =	vimm.s32 $0x0;
	v12 =	vimm.s32 $0x0;
	[tilespmem:s15], [sflag:$0x2] =	stream.linear.gather [hbm4b:s8+s4], $0x4000, $0x38;
	[tilespmem:$0x10080] =	vst v63  }
0x21: {  	v6 =	vimm.s32 $0x0;
	v1 =	vimm.s32 $0x0;
	v7 =	vimm.s32 $0x0;
	s24 =	simm.s32 $0x0  }
0x22: {  	v3 =	vimm.s32 $0x0;
	v2 =	vimm.s32 $0x0;
	v4 =	vimm.s32 $0x0;
	[tilespmem:s16], [sflag:$0x4] =	stream.linear.gather [hbm4b:s9+s4], $0x4000, $0x38;
	[tilespmem:$0x10080] =	vst v63  }
.LBB2_2:
0x23: {  	_ =	swait.ge [sflag:s17], $0x4000  }
0x24: {  	[sflag:s17] =	ssyncset.done $0x0  }
0x25: {  	[sflag:s17] =	ssyncadd.s32 $0xFFFFC000  }
0x26: {  	_ =	swait.ge [sflag:s18], $0x4000  }
0x27: {  	s25 =	simm.s32 $0x0;
	[sflag:s18] =	ssyncset.done $0x0  }
0x28: {  	s26 =	simm.s32 $0x8040;
	s28 =	simm.s32 $0x40;
	[sflag:s18] =	ssyncadd.s32 $0xFFFFC000  }
.LBB2_3:
0x29: {  	v9 =	vmov s28;
	_ =	sdelay $0x3  }
0x2a: {  	s29 =	simm.s32 $0x0  }
0x2b: {  	v13 =	vld.idx.msk [tilespmem:v9+s29+$0x0 ss:$0x1], $0xffff  }
0x2c: {  	v10 =	vmov s26;
	v14 =	vld.idx.msk [tilespmem:v9+s29+$0x10 ss:$0x1], $0xffff  }
0x2d: {  	v15 =	vld.idx.msk [tilespmem:v9+s29+$0xFFFFFFC0 ss:$0x1], $0xffff  }
0x2e: {  	v16 =	vld.idx.msk [tilespmem:v9+s29+$0xFFFFFFD0 ss:$0x1], $0xffff  }
0x2f: {  	v17 =	vld.idx.msk [tilespmem:v9+s29+$0xFFFFFFF0 ss:$0x1], $0xffff  }
0x30: {  	v18 =	vld.idx.msk [tilespmem:v9+s29+$0x30 ss:$0x1], $0xffff  }
0x31: {  	v19 =	vld.idx.msk [tilespmem:v10+s29+$0xFFFFFFC0 ss:$0x1], $0xffff  }
0x32: {  	v20 =	vld.idx.msk [tilespmem:v10+s29+$0x10 ss:$0x1], $0xffff  }
0x33: {  	v8 =	vld.idx.msk [tilespmem:v9+s29+$0x20 ss:$0x1], $0xffff  }
0x34: {  	v11 =	vimm.f32 $1.000000000e+00;
	v24 =	vld.idx.msk [tilespmem:v9+s29+$0xFFFFFFE0 ss:$0x1], $0xffff  }
0x35: {  	v21 =	vld.idx.msk [tilespmem:v10+s29+$0x20 ss:$0x1], $0xffff;
	v6 =	vadd.s32 v6, v16;
	v5 =	vadd.s32 v5, v17;
	vm1 =	veq.s32 v15, $0x1  }
0x36: {  	v22 =	vld.idx.msk [tilespmem:v10+s29+$0x0 ss:$0x1], $0xffff;
	v19 =	vmax.f32 v19, $9.999999960e-13;
	vm3 =	veq.s32 v14, $0x1;
	vm2 =	veq.s32 v18, $0x1  }
0x37: {  	v23 =	vld.idx.msk [tilespmem:v10+s29+$0xFFFFFFF0 ss:$0x1], $0xffff;
	vm0 =	veq.s32 v16, $0x1;
	vm4 =	veq.s32 v17, $0x1;
	v17 =	vmax.f32 v20, $9.999999960e-13  }
0x38: {  	vm5 =	veq.s32 v13, $0x1;
	v1 =	vadd.s32 v1, v15;
	vm6 =	veq.s32 v8, $0x1  }
0x39: {  	v12 =	vadd.s32 v12, v24;
	v17 =	vadd.s32 $0xC0CAFB0D, v17;
	v6 =	vadd.s32 v14, v6  }
0x3a: {  	v16 =	vld.idx.msk [tilespmem:v10+s29+$0xFFFFFFE0 ss:$0x1], $0xffff;
	v14 =	vmax.f32 v21, $9.999999960e-13;
	v5 =	vadd.s32 v18, v5;
	v1 =	vadd.s32 v13, v1  }
0x3b: {  	v15 =	vld.idx.msk [tilespmem:v10+s29+$0x30 ss:$0x1], $0xffff;
	v18 =	vmax.f32 v22, $9.999999960e-13;
	v27 =	vadd.s32 $0xC0CAFB0D, v19;
	v13 =	vadd.s32 $0xC0CAFB0D, v14  }
0x3c: {  	v20 =	vld.idx.msk [tilespmem:v10+s29+$0xFFFFFFD0 ss:$0x1], $0xffff;
	v14 =	vmax.f32 v23, $9.999999960e-13;
	v17 =	vnsel vm3, $0x4AFB0D, v17;
	vm3 =	veq.s32 v24, $0x1  }
0x3d: {  	v18 =	vadd.s32 $0xC0CAFB0D, v18;
	v14 =	vadd.s32 $0xC0CAFB0D, v14;
	v21 =	vnsel vm6, $0x4AFB0D, v13  }
0x3e: {  	v28 =	vand.u32 $0x7FFFFF, v17;
	v22 =	vnsel vm5, $0x4AFB0D, v18;
	v18 =	vimm.f32 $1.000000000e+00  }
0x3f: {  	v14 =	vnsel vm4, $0x4AFB0D, v14;
	v13 =	vand.u32 $0x7FFFFF, v21;
	v16 =	vmax.f32 v16, $9.999999960e-13  }
0x40: {  	v25 =	vadd.s32 $0x3F3504F3, v13;
	v15 =	vmax.f32 v15, $9.999999960e-13;
	v19 =	vand.u32 $0x7FFFFF, v14  }
0x41: {  	v13 =	vshra.s32 v17, $0x17;
	v26 =	vshra.s32 v14, $0x17;
	v30 =	vmax.f32 v20, $9.999999960e-13  }
0x42: {  	v20 =	vimm.f32 $1.000000000e+00;
	v14 =	vimm.f32 $1.000000000e+00;
	v17 =	vimm.f32 $1.000000000e+00  }
0x43: {  	v16 =	vadd.s32 $0xC0CAFB0D, v16;
	v15 =	vadd.s32 $0xC0CAFB0D, v15;
	v31 =	vadd.s32 $0x3F3504F3, v19  }
0x44: {  	v19 =	vimm.f32 $1.000000000e+00;
	v24 =	vnsel vm3, $0x4AFB0D, v16;
	v23 =	vnsel vm2, $0x4AFB0D, v15  }
0x45: {  	s29 =	simm.s32 $0x1000;
	v15 =	vimm.f32 $1.000000000e+00;
	v16 =	vimm.f32 $1.000000000e+00;
	v29 =	vand.u32 $0x7FFFFF, v23  }
.LBB2_4:
0x46: {  	s30 =	sshra.s32 s29, $0x2;
	p0 =	sne.s32 s29, $0xF000;
	s29 =	sadd.s32 $0x1000, s29;
	v30 =	vadd.s32 $0xC0CAFB0D, v30;
	v11 =	vmul.f32 v31, v11;
	v28 =	vadd.s32 $0x3F3504F3, v28  }
0x47: {  	v27 =	vnsel vm1, $0x4AFB0D, v27;
	v7 =	vadd.s32 v7, v26;
	v26 =	vand.u32 $0x7FFFFF, v22;
	v31 =	vld.idx.msk [tilespmem:v9+s30+$0x0 ss:$0x1], $0xffff  }
0x48: {  	v33 =	vshra.s32 v24, $0x17;
	v29 =	vadd.s32 $0x3F3504F3, v29;
	v26 =	vadd.s32 $0x3F3504F3, v26;
	v32 =	vld.idx.msk [tilespmem:v9+s30+$0x10 ss:$0x1], $0xffff  }
0x49: {  	v22 =	vshra.s32 v22, $0x17;
	v35 =	vshra.s32 v27, $0x17;
	v20 =	vmul.f32 v26, v20;
	v34 =	vld.idx.msk [tilespmem:v9+s30+$0xFFFFFFC0 ss:$0x1], $0xffff  }
0x4a: {  	v23 =	vshra.s32 v23, $0x17;
	v27 =	vand.u32 $0x7FFFFF, v27;
	v19 =	vmul.f32 v28, v19;
	v26 =	vld.idx.msk [tilespmem:v9+s30+$0xFFFFFFD0 ss:$0x1], $0xffff  }
0x4b: {  	v24 =	vand.u32 $0x7FFFFF, v24;
	v21 =	vshra.s32 v21, $0x17;
	v3 =	vadd.s32 v3, v33;
	v28 =	vld.idx.msk [tilespmem:v9+s30+$0xFFFFFFF0 ss:$0x1], $0xffff  }
0x4c: {  	v14 =	vmul.f32 v25, v14;
	v27 =	vadd.s32 $0x3F3504F3, v27;
	v3 =	vadd.s32 v21, v3;
	v33 =	vld.idx.msk [tilespmem:v9+s30+$0x30 ss:$0x1], $0xffff  }
0x4d: {  	v24 =	vadd.s32 $0x3F3504F3, v24;
	v15 =	vmul.f32 v29, v15;
	v18 =	vmul.f32 v27, v18;
	v21 =	vld.idx.msk [tilespmem:v10+s30+$0xFFFFFFC0 ss:$0x1], $0xffff  }
0x4e: {  	v12 =	vadd.s32 v8, v12;
	v7 =	vadd.s32 v23, v7;
	v4 =	vadd.s32 v4, v35;
	v25 =	vld.idx.msk [tilespmem:v10+s30+$0x10 ss:$0x1], $0xffff  }
0x4f: {  	v23 =	vnsel vm0, $0x4AFB0D, v30;
	v16 =	vmul.f32 v24, v16;
	v4 =	vadd.s32 v22, v4;
	v8 =	vld.idx.msk [tilespmem:v9+s30+$0x20 ss:$0x1], $0xffff  }
0x50: {  	v24 =	vshra.s32 v23, $0x17;
	v23 =	vand.u32 $0x7FFFFF, v23;
	v6 =	vadd.s32 v6, v26;
	v22 =	vld.idx.msk [tilespmem:v10+s30+$0x20 ss:$0x1], $0xffff  }
0x51: {  	v23 =	vadd.s32 $0x3F3504F3, v23;
	v2 =	vadd.s32 v2, v24;
	v5 =	vadd.s32 v5, v28;
	v27 =	vld.idx.msk [tilespmem:v10+s30+$0x0 ss:$0x1], $0xffff  }
0x52: {  	v17 =	vmul.f32 v23, v17;
	v2 =	vadd.s32 v13, v2;
	vm1 =	veq.s32 v34, $0x1;
	v24 =	vld.idx.msk [tilespmem:v10+s30+$0xFFFFFFF0 ss:$0x1], $0xffff  }
0x53: {  	vm4 =	veq.s32 v32, $0x1;
	vm2 =	veq.s32 v33, $0x1;
	v13 =	vmax.f32 v21, $9.999999960e-13;
	v23 =	vld.idx.msk [tilespmem:v9+s30+$0xFFFFFFE0 ss:$0x1], $0xffff  }
0x54: {  	vm0 =	veq.s32 v26, $0x1;
	vm5 =	veq.s32 v28, $0x1;
	v25 =	vmax.f32 v25, $9.999999960e-13;
	v21 =	vld.idx.msk [tilespmem:v10+s30+$0xFFFFFFE0 ss:$0x1], $0xffff  }
0x55: {  	vm3 =	veq.s32 v31, $0x1;
	v6 =	vadd.s32 v32, v6;
	v25 =	vadd.s32 $0xC0CAFB0D, v25  }
0x56: {  	v1 =	vadd.s32 v1, v34;
	v5 =	vadd.s32 v33, v5;
	v22 =	vmax.f32 v22, $9.999999960e-13;
	v26 =	vld.idx.msk [tilespmem:v10+s30+$0x30 ss:$0x1], $0xffff  }
0x57: {  	v1 =	vadd.s32 v31, v1;
	vm6 =	veq.s32 v8, $0x1;
	v22 =	vadd.s32 $0xC0CAFB0D, v22  }
0x58: {  	v30 =	vnsel vm4, $0x4AFB0D, v25;
	v29 =	vmax.f32 v27, $9.999999960e-13;
	v24 =	vmax.f32 v24, $9.999999960e-13  }
0x59: {  	v27 =	vadd.s32 $0xC0CAFB0D, v13;
	v12 =	vadd.s32 v12, v23;
	v24 =	vadd.s32 $0xC0CAFB0D, v24  }
0x5a: {  	v32 =	vmax.f32 v21, $9.999999960e-13;
	v33 =	vnsel vm5, $0x4AFB0D, v24;
	v21 =	vnsel vm6, $0x4AFB0D, v22;
	v31 =	vld.idx.msk [tilespmem:v10+s30+$0xFFFFFFD0 ss:$0x1], $0xffff  }
0x5b: {  	v28 =	vand.u32 $0x7FFFFF, v30;
	vm4 =	veq.s32 v23, $0x1;
	v13 =	vand.u32 $0x7FFFFF, v21  }
.Ltmp2:
0x5c: {  	v25 =	vadd.s32 $0x3F3504F3, v13;
	v23 =	vmax.f32 v26, $9.999999960e-13;
	(pc) =	sbr.rel @p0 .LBB2_4-.Ltmp2, $4  }
0x5d: {  	v22 =	vadd.s32 $0xC0CAFB0D, v29;
	v34 =	vand.u32 $0x7FFFFF, v33;
	v13 =	vshra.s32 v30, $0x17  }
0x5e: {  	v24 =	vadd.s32 $0xC0CAFB0D, v32;
	v22 =	vnsel vm3, $0x4AFB0D, v22;
	v23 =	vadd.s32 $0xC0CAFB0D, v23  }
0x5f: {  	v24 =	vnsel vm4, $0x4AFB0D, v24;
	v26 =	vshra.s32 v33, $0x17;
	v23 =	vnsel vm2, $0x4AFB0D, v23  }
0x60: {  	v29 =	vand.u32 $0x7FFFFF, v23;
	v30 =	vmax.f32 v31, $9.999999960e-13;
	v31 =	vadd.s32 $0x3F3504F3, v34  }
0x61: {  	v9 =	vand.u32 $0x7FFFFF, v22  }
0x62: {  	v10 =	vmul.f32 v31, v11;
	v55 =	vadd.s32 $0xC0CAFB0D, v30;
	v28 =	vadd.s32 $0x3F3504F3, v28  }
0x63: {  	v27 =	vnsel vm1, $0x4AFB0D, v27;
	v57 =	vand.u32 $0x7FFFFF, v24;
	v29 =	vadd.s32 $0x3F3504F3, v29  }
0x64: {  	v14 =	vmul.f32 v25, v14;
	v9 =	vadd.s32 $0x3F3504F3, v9;
	v56 =	vand.u32 $0x7FFFFF, v27  }
0x65: {  	v19 =	vmul.f32 v28, v19;
	v11 =	vnsel vm0, $0x4AFB0D, v55;
	v59 =	vadd.s32 $0x3F3504F3, v57  }
0x66: {  	v15 =	vmul.f32 v29, v15;
	v9 =	vmul.f32 v9, v20;
	v58 =	vand.u32 $0x7FFFFF, v11  }
0x67: {  	v20 =	vadd.s32 $0x3F3504F3, v56;
	v16 =	vmul.f32 v59, v16;
	v60 =	vadd.s32 $0x3F3504F3, v58  }
0x68: {  	v18 =	vmul.f32 v20, v18;
	v17 =	vmul.f32 v60, v17  }
0x69: {  	v14 =	vmul.f32 v15, v14;
	v10 =	vmul.f32 v10, v16  }
0x6a: {  	v9 =	vmul.f32 v19, v9;
	v17 =	vmul.f32 v17, v18;
	_ =	sdelay $0x1  }
0x6b: {  	v9 =	vmul.f32 v14, v9;
	v10 =	vmul.f32 v10, v17;
	_ =	sdelay $0x1  }
0x6c: {  	v9 =	vmul.f32 v9, v10;
	_ =	sdelay $0x1  }
0x6d: {  	v9 =	vadd.s32 $0xC0CAFB0D, v9  }
0x6e: {  	v61 =	vand.u32 $0x7FFFFF, v9  }
0x6f: {  	v10 =	vadd.s32 $0x3F3504F3, v61  }
0x70: {  	v10 =	vadd.f32 $-1.000000000e+00, v10;
	_ =	sdelay $0x1  }
0x71: {  	v14 =	vmul.f32 $1.144823060e-01, v10;
	_ =	sdelay $0x1  }
0x72: {  	v14 =	vadd.f32 $-1.862740070e-01, v14;
	_ =	sdelay $0x1  }
0x73: {  	v14 =	vmul.f32 v14, v10;
	_ =	sdelay $0x1  }
0x74: {  	v14 =	vadd.f32 $2.061172870e-01, v14;
	_ =	sdelay $0x1  }
0x75: {  	v14 =	vmul.f32 v14, v10;
	_ =	sdelay $0x1  }
0x76: {  	v14 =	vadd.f32 $-2.491123830e-01, v14;
	_ =	sdelay $0x1  }
0x77: {  	v14 =	vmul.f32 v14, v10;
	_ =	sdelay $0x1  }
0x78: {  	v14 =	vadd.f32 $3.330481950e-01, v14;
	_ =	sdelay $0x1  }
0x79: {  	v14 =	vmul.f32 v14, v10;
	_ =	sdelay $0x1  }
0x7a: {  	v14 =	vadd.f32 $-5.000129340e-01, v14;
	_ =	sdelay $0x1  }
0x7b: {  	v14 =	vmul.f32 v14, v10;
	_ =	sdelay $0x1  }
0x7c: {  	v14 =	vadd.f32 $1.000003100e+00, v14  }
0x7d: {  	v9 =	vshra.s32 v9, $0x17  }
0x7e: {  	v7 =	vadd.s32 v7, v26;
	s25 =	sadd.s32 $0x1, s25;
	v9 =	vcvt.s32.f32 v9;
	v10 =	vmul.f32 v14, v10  }
0x7f: {  	v62 =	vshra.s32 v22, $0x17;
	v63 =	vshra.s32 v23, $0x17;
	v12 =	vadd.s32 v8, v12;
	p0 =	sne.s32 s25, $0x8  }
.Ltmp3:
0x80: {  	v11 =	vshra.s32 v11, $0x17;
	v9 =	vmul.f32 $6.931471820e-01, v9;
	v10 =	vadd.f32 $3.340116090e-08, v10;
	(pc) =	sbr.rel @p0 .LBB2_3-.Ltmp3, $4  }
0x81: {  	v7 =	vadd.s32 v63, v7;
	v15 =	vshra.s32 v24, $0x17;
	v2 =	vadd.s32 v2, v11  }
0x82: {  	v3 =	vadd.s32 v3, v15;
	v14 =	vshra.s32 v27, $0x17;
	v9 =	vadd.f32 v10, v9  }
0x83: {  	v15 =	vshra.s32 v21, $0x17;
	v2 =	vadd.s32 v13, v2;
	v4 =	vadd.s32 v4, v14  }
0x84: {  	s26 =	sadd.s32 $0x80, s26;
	s28 =	sadd.s32 $0x80, s28;
	v3 =	vadd.s32 v15, v3;
	v4 =	vadd.s32 v62, v4;
	v0 =	vadd.f32 v9, v0  }
0x85: {  	s25 =	sshll.u32 s24, $0x1;
	p0 =	seq.s32 s24, $0x3  }
0x86: {  	s26 =	sadd.s32 @!p0 s25, s10  }
0x87: {  	s26 =	sshll.u32 @!p0 s26, $0xE  }
0x88: {  	s26 =	sadd.s32 @!p0 s5, s26  }
0x89: {  	s26 =	sshrl.u32 @!p0 s26, $0x3  }
0x8a: {  	s29 =	simm.s32 @!p0 $0x0;
	s28 =	sadd.s32 @!p0 s0, s26  }
0x8b: {  	[tilespmem:s29], [sflag:$0x1] =	stream.linear.gather @!p0 [hbm4b:s28+s29], $0x4000, $0x38;
	[tilespmem:$0x10080] =	vst v63  }
0x8c: {  	s26 =	sadd.s32 @!p0 s3, s26;
	s28 =	simm.s32 @!p0 $0x8000  }
0x8d: {  	[tilespmem:s28], [sflag:$0x3] =	stream.linear.gather @!p0 [hbm4b:s26+s29], $0x4000, $0x38;
	[tilespmem:$0x10080] =	vst v63  }
0x8e: {  	_ =	swait.ge [sflag:s19], $0x4000  }
0x8f: {  	[sflag:s19] =	ssyncset.done $0x0  }
0x90: {  	[sflag:s19] =	ssyncadd.s32 $0xFFFFC000  }
0x91: {  	_ =	swait.ge [sflag:s20], $0x4000  }
0x92: {  	s26 =	simm.s32 $0x0;
	[sflag:s20] =	ssyncset.done $0x0  }
0x93: {  	s28 =	simm.s32 $0xC040;
	s29 =	simm.s32 $0x4040;
	[sflag:s20] =	ssyncadd.s32 $0xFFFFC000  }
.LBB2_7:
0x94: {  	v9 =	vmov s29;
	_ =	sdelay $0x3  }
0x95: {  	s30 =	simm.s32 $0x0  }
0x96: {  	v13 =	vld.idx.msk [tilespmem:v9+s30+$0x0 ss:$0x1], $0xffff  }
0x97: {  	v10 =	vmov s28;
	v14 =	vld.idx.msk [tilespmem:v9+s30+$0x10 ss:$0x1], $0xffff  }
0x98: {  	v15 =	vld.idx.msk [tilespmem:v9+s30+$0xFFFFFFC0 ss:$0x1], $0xffff  }
0x99: {  	v16 =	vld.idx.msk [tilespmem:v9+s30+$0xFFFFFFD0 ss:$0x1], $0xffff  }
0x9a: {  	v17 =	vld.idx.msk [tilespmem:v9+s30+$0xFFFFFFF0 ss:$0x1], $0xffff  }
0x9b: {  	v18 =	vld.idx.msk [tilespmem:v9+s30+$0x30 ss:$0x1], $0xffff  }
0x9c: {  	v19 =	vld.idx.msk [tilespmem:v10+s30+$0xFFFFFFC0 ss:$0x1], $0xffff  }
0x9d: {  	v20 =	vld.idx.msk [tilespmem:v10+s30+$0x10 ss:$0x1], $0xffff  }
0x9e: {  	v8 =	vld.idx.msk [tilespmem:v9+s30+$0x20 ss:$0x1], $0xffff  }
0x9f: {  	v11 =	vimm.f32 $1.000000000e+00;
	v24 =	vld.idx.msk [tilespmem:v9+s30+$0xFFFFFFE0 ss:$0x1], $0xffff  }
0xa0: {  	v21 =	vld.idx.msk [tilespmem:v10+s30+$0x20 ss:$0x1], $0xffff;
	v6 =	vadd.s32 v6, v16;
	v5 =	vadd.s32 v5, v17;
	vm1 =	veq.s32 v15, $0x1  }
0xa1: {  	v22 =	vld.idx.msk [tilespmem:v10+s30+$0x0 ss:$0x1], $0xffff;
	v19 =	vmax.f32 v19, $9.999999960e-13;
	vm3 =	veq.s32 v14, $0x1;
	vm2 =	veq.s32 v18, $0x1  }
0xa2: {  	v23 =	vld.idx.msk [tilespmem:v10+s30+$0xFFFFFFF0 ss:$0x1], $0xffff;
	vm0 =	veq.s32 v16, $0x1;
	vm4 =	veq.s32 v17, $0x1;
	v17 =	vmax.f32 v20, $9.999999960e-13  }
0xa3: {  	vm5 =	veq.s32 v13, $0x1;
	v1 =	vadd.s32 v1, v15;
	vm6 =	veq.s32 v8, $0x1  }
0xa4: {  	v12 =	vadd.s32 v12, v24;
	v17 =	vadd.s32 $0xC0CAFB0D, v17;
	v6 =	vadd.s32 v14, v6  }
0xa5: {  	v16 =	vld.idx.msk [tilespmem:v10+s30+$0xFFFFFFE0 ss:$0x1], $0xffff;
	v14 =	vmax.f32 v21, $9.999999960e-13;
	v5 =	vadd.s32 v18, v5;
	v1 =	vadd.s32 v13, v1  }
0xa6: {  	v15 =	vld.idx.msk [tilespmem:v10+s30+$0x30 ss:$0x1], $0xffff;
	v18 =	vmax.f32 v22, $9.999999960e-13;
	v27 =	vadd.s32 $0xC0CAFB0D, v19;
	v13 =	vadd.s32 $0xC0CAFB0D, v14  }
0xa7: {  	v20 =	vld.idx.msk [tilespmem:v10+s30+$0xFFFFFFD0 ss:$0x1], $0xffff;
	v14 =	vmax.f32 v23, $9.999999960e-13;
	v17 =	vnsel vm3, $0x4AFB0D, v17;
	vm3 =	veq.s32 v24, $0x1  }
0xa8: {  	v18 =	vadd.s32 $0xC0CAFB0D, v18;
	v14 =	vadd.s32 $0xC0CAFB0D, v14;
	v21 =	vnsel vm6, $0x4AFB0D, v13  }
0xa9: {  	v28 =	vand.u32 $0x7FFFFF, v17;
	v22 =	vnsel vm5, $0x4AFB0D, v18;
	v18 =	vimm.f32 $1.000000000e+00  }
0xaa: {  	v14 =	vnsel vm4, $0x4AFB0D, v14;
	v13 =	vand.u32 $0x7FFFFF, v21;
	v16 =	vmax.f32 v16, $9.999999960e-13  }
0xab: {  	v25 =	vadd.s32 $0x3F3504F3, v13;
	v15 =	vmax.f32 v15, $9.999999960e-13;
	v19 =	vand.u32 $0x7FFFFF, v14  }
0xac: {  	v13 =	vshra.s32 v17, $0x17;
	v26 =	vshra.s32 v14, $0x17;
	v30 =	vmax.f32 v20, $9.999999960e-13  }
0xad: {  	v20 =	vimm.f32 $1.000000000e+00;
	v14 =	vimm.f32 $1.000000000e+00;
	v17 =	vimm.f32 $1.000000000e+00  }
0xae: {  	v16 =	vadd.s32 $0xC0CAFB0D, v16;
	v15 =	vadd.s32 $0xC0CAFB0D, v15;
	v31 =	vadd.s32 $0x3F3504F3, v19  }
0xaf: {  	v19 =	vimm.f32 $1.000000000e+00;
	v24 =	vnsel vm3, $0x4AFB0D, v16;
	v23 =	vnsel vm2, $0x4AFB0D, v15  }
0xb0: {  	s30 =	simm.s32 $0x1000;
	v15 =	vimm.f32 $1.000000000e+00;
	v16 =	vimm.f32 $1.000000000e+00;
	v29 =	vand.u32 $0x7FFFFF, v23  }
.LBB2_8:
0xb1: {  	s31 =	sshra.s32 s30, $0x2;
	p1 =	sne.s32 s30, $0xF000;
	s30 =	sadd.s32 $0x1000, s30;
	v30 =	vadd.s32 $0xC0CAFB0D, v30;
	v11 =	vmul.f32 v31, v11;
	v28 =	vadd.s32 $0x3F3504F3, v28  }
0xb2: {  	v27 =	vnsel vm1, $0x4AFB0D, v27;
	v7 =	vadd.s32 v7, v26;
	v26 =	vand.u32 $0x7FFFFF, v22;
	v31 =	vld.idx.msk [tilespmem:v9+s31+$0x0 ss:$0x1], $0xffff  }
0xb3: {  	v33 =	vshra.s32 v24, $0x17;
	v29 =	vadd.s32 $0x3F3504F3, v29;
	v26 =	vadd.s32 $0x3F3504F3, v26;
	v32 =	vld.idx.msk [tilespmem:v9+s31+$0x10 ss:$0x1], $0xffff  }
0xb4: {  	v22 =	vshra.s32 v22, $0x17;
	v35 =	vshra.s32 v27, $0x17;
	v20 =	vmul.f32 v26, v20;
	v34 =	vld.idx.msk [tilespmem:v9+s31+$0xFFFFFFC0 ss:$0x1], $0xffff  }
0xb5: {  	v23 =	vshra.s32 v23, $0x17;
	v27 =	vand.u32 $0x7FFFFF, v27;
	v19 =	vmul.f32 v28, v19;
	v26 =	vld.idx.msk [tilespmem:v9+s31+$0xFFFFFFD0 ss:$0x1], $0xffff  }
0xb6: {  	v24 =	vand.u32 $0x7FFFFF, v24;
	v21 =	vshra.s32 v21, $0x17;
	v3 =	vadd.s32 v3, v33;
	v28 =	vld.idx.msk [tilespmem:v9+s31+$0xFFFFFFF0 ss:$0x1], $0xffff  }
0xb7: {  	v14 =	vmul.f32 v25, v14;
	v27 =	vadd.s32 $0x3F3504F3, v27;
	v3 =	vadd.s32 v21, v3;
	v33 =	vld.idx.msk [tilespmem:v9+s31+$0x30 ss:$0x1], $0xffff  }
0xb8: {  	v24 =	vadd.s32 $0x3F3504F3, v24;
	v15 =	vmul.f32 v29, v15;
	v18 =	vmul.f32 v27, v18;
	v21 =	vld.idx.msk [tilespmem:v10+s31+$0xFFFFFFC0 ss:$0x1], $0xffff  }
0xb9: {  	v12 =	vadd.s32 v8, v12;
	v7 =	vadd.s32 v23, v7;
	v4 =	vadd.s32 v4, v35;
	v25 =	vld.idx.msk [tilespmem:v10+s31+$0x10 ss:$0x1], $0xffff  }
0xba: {  	v23 =	vnsel vm0, $0x4AFB0D, v30;
	v16 =	vmul.f32 v24, v16;
	v4 =	vadd.s32 v22, v4;
	v8 =	vld.idx.msk [tilespmem:v9+s31+$0x20 ss:$0x1], $0xffff  }
0xbb: {  	v24 =	vshra.s32 v23, $0x17;
	v23 =	vand.u32 $0x7FFFFF, v23;
	v6 =	vadd.s32 v6, v26;
	v22 =	vld.idx.msk [tilespmem:v10+s31+$0x20 ss:$0x1], $0xffff  }
0xbc: {  	v23 =	vadd.s32 $0x3F3504F3, v23;
	v2 =	vadd.s32 v2, v24;
	v5 =	vadd.s32 v5, v28;
	v27 =	vld.idx.msk [tilespmem:v10+s31+$0x0 ss:$0x1], $0xffff  }
0xbd: {  	v17 =	vmul.f32 v23, v17;
	v2 =	vadd.s32 v13, v2;
	vm1 =	veq.s32 v34, $0x1;
	v24 =	vld.idx.msk [tilespmem:v10+s31+$0xFFFFFFF0 ss:$0x1], $0xffff  }
0xbe: {  	vm4 =	veq.s32 v32, $0x1;
	vm2 =	veq.s32 v33, $0x1;
	v13 =	vmax.f32 v21, $9.999999960e-13;
	v23 =	vld.idx.msk [tilespmem:v9+s31+$0xFFFFFFE0 ss:$0x1], $0xffff  }
0xbf: {  	vm0 =	veq.s32 v26, $0x1;
	vm5 =	veq.s32 v28, $0x1;
	v25 =	vmax.f32 v25, $9.999999960e-13;
	v21 =	vld.idx.msk [tilespmem:v10+s31+$0xFFFFFFE0 ss:$0x1], $0xffff  }
0xc0: {  	vm3 =	veq.s32 v31, $0x1;
	v6 =	vadd.s32 v32, v6;
	v25 =	vadd.s32 $0xC0CAFB0D, v25  }
0xc1: {  	v1 =	vadd.s32 v1, v34;
	v5 =	vadd.s32 v33, v5;
	v22 =	vmax.f32 v22, $9.999999960e-13;
	v26 =	vld.idx.msk [tilespmem:v10+s31+$0x30 ss:$0x1], $0xffff  }
0xc2: {  	v1 =	vadd.s32 v31, v1;
	vm6 =	veq.s32 v8, $0x1;
	v22 =	vadd.s32 $0xC0CAFB0D, v22  }
0xc3: {  	v30 =	vnsel vm4, $0x4AFB0D, v25;
	v29 =	vmax.f32 v27, $9.999999960e-13;
	v24 =	vmax.f32 v24, $9.999999960e-13  }
0xc4: {  	v27 =	vadd.s32 $0xC0CAFB0D, v13;
	v12 =	vadd.s32 v12, v23;
	v24 =	vadd.s32 $0xC0CAFB0D, v24  }
0xc5: {  	v32 =	vmax.f32 v21, $9.999999960e-13;
	v33 =	vnsel vm5, $0x4AFB0D, v24;
	v21 =	vnsel vm6, $0x4AFB0D, v22;
	v31 =	vld.idx.msk [tilespmem:v10+s31+$0xFFFFFFD0 ss:$0x1], $0xffff  }
0xc6: {  	v28 =	vand.u32 $0x7FFFFF, v30;
	vm4 =	veq.s32 v23, $0x1;
	v13 =	vand.u32 $0x7FFFFF, v21  }
.Ltmp4:
0xc7: {  	v25 =	vadd.s32 $0x3F3504F3, v13;
	v23 =	vmax.f32 v26, $9.999999960e-13;
	(pc) =	sbr.rel @p1 .LBB2_8-.Ltmp4, $4  }
0xc8: {  	v22 =	vadd.s32 $0xC0CAFB0D, v29;
	v34 =	vand.u32 $0x7FFFFF, v33;
	v13 =	vshra.s32 v30, $0x17  }
0xc9: {  	v24 =	vadd.s32 $0xC0CAFB0D, v32;
	v22 =	vnsel vm3, $0x4AFB0D, v22;
	v23 =	vadd.s32 $0xC0CAFB0D, v23  }
0xca: {  	v24 =	vnsel vm4, $0x4AFB0D, v24;
	v26 =	vshra.s32 v33, $0x17;
	v23 =	vnsel vm2, $0x4AFB0D, v23  }
0xcb: {  	v29 =	vand.u32 $0x7FFFFF, v23;
	v30 =	vmax.f32 v31, $9.999999960e-13;
	v31 =	vadd.s32 $0x3F3504F3, v34  }
0xcc: {  	v9 =	vand.u32 $0x7FFFFF, v22  }
0xcd: {  	v10 =	vmul.f32 v31, v11;
	v55 =	vadd.s32 $0xC0CAFB0D, v30;
	v28 =	vadd.s32 $0x3F3504F3, v28  }
0xce: {  	v27 =	vnsel vm1, $0x4AFB0D, v27;
	v57 =	vand.u32 $0x7FFFFF, v24;
	v29 =	vadd.s32 $0x3F3504F3, v29  }
0xcf: {  	v14 =	vmul.f32 v25, v14;
	v9 =	vadd.s32 $0x3F3504F3, v9;
	v56 =	vand.u32 $0x7FFFFF, v27  }
0xd0: {  	v19 =	vmul.f32 v28, v19;
	v11 =	vnsel vm0, $0x4AFB0D, v55;
	v59 =	vadd.s32 $0x3F3504F3, v57  }
0xd1: {  	v15 =	vmul.f32 v29, v15;
	v9 =	vmul.f32 v9, v20;
	v58 =	vand.u32 $0x7FFFFF, v11  }
0xd2: {  	v20 =	vadd.s32 $0x3F3504F3, v56;
	v16 =	vmul.f32 v59, v16;
	v60 =	vadd.s32 $0x3F3504F3, v58  }
0xd3: {  	v18 =	vmul.f32 v20, v18;
	v17 =	vmul.f32 v60, v17  }
0xd4: {  	v14 =	vmul.f32 v15, v14;
	v10 =	vmul.f32 v10, v16  }
0xd5: {  	v9 =	vmul.f32 v19, v9;
	v17 =	vmul.f32 v17, v18;
	_ =	sdelay $0x1  }
0xd6: {  	v9 =	vmul.f32 v14, v9;
	v10 =	vmul.f32 v10, v17;
	_ =	sdelay $0x1  }
0xd7: {  	v9 =	vmul.f32 v9, v10;
	_ =	sdelay $0x1  }
0xd8: {  	v9 =	vadd.s32 $0xC0CAFB0D, v9  }
0xd9: {  	v61 =	vand.u32 $0x7FFFFF, v9  }
0xda: {  	v10 =	vadd.s32 $0x3F3504F3, v61  }
0xdb: {  	v10 =	vadd.f32 $-1.000000000e+00, v10;
	_ =	sdelay $0x1  }
0xdc: {  	v14 =	vmul.f32 $1.144823060e-01, v10;
	_ =	sdelay $0x1  }
0xdd: {  	v14 =	vadd.f32 $-1.862740070e-01, v14;
	_ =	sdelay $0x1  }
0xde: {  	v14 =	vmul.f32 v14, v10;
	_ =	sdelay $0x1  }
0xdf: {  	v14 =	vadd.f32 $2.061172870e-01, v14;
	_ =	sdelay $0x1  }
0xe0: {  	v14 =	vmul.f32 v14, v10;
	_ =	sdelay $0x1  }
0xe1: {  	v14 =	vadd.f32 $-2.491123830e-01, v14;
	_ =	sdelay $0x1  }
0xe2: {  	v14 =	vmul.f32 v14, v10;
	_ =	sdelay $0x1  }
0xe3: {  	v14 =	vadd.f32 $3.330481950e-01, v14;
	_ =	sdelay $0x1  }
0xe4: {  	v14 =	vmul.f32 v14, v10;
	_ =	sdelay $0x1  }
0xe5: {  	v14 =	vadd.f32 $-5.000129340e-01, v14;
	_ =	sdelay $0x1  }
0xe6: {  	v14 =	vmul.f32 v14, v10;
	_ =	sdelay $0x1  }
0xe7: {  	v14 =	vadd.f32 $1.000003100e+00, v14  }
0xe8: {  	v9 =	vshra.s32 v9, $0x17  }
0xe9: {  	v7 =	vadd.s32 v7, v26;
	s26 =	sadd.s32 $0x1, s26;
	v9 =	vcvt.s32.f32 v9;
	v10 =	vmul.f32 v14, v10  }
0xea: {  	v62 =	vshra.s32 v22, $0x17;
	v63 =	vshra.s32 v23, $0x17;
	v12 =	vadd.s32 v8, v12;
	p1 =	sne.s32 s26, $0x8  }
.Ltmp5:
0xeb: {  	v11 =	vshra.s32 v11, $0x17;
	v9 =	vmul.f32 $6.931471820e-01, v9;
	v10 =	vadd.f32 $3.340116090e-08, v10;
	(pc) =	sbr.rel @p1 .LBB2_7-.Ltmp5, $4  }
0xec: {  	v7 =	vadd.s32 v63, v7;
	v15 =	vshra.s32 v24, $0x17;
	v2 =	vadd.s32 v2, v11  }
0xed: {  	v3 =	vadd.s32 v3, v15;
	v14 =	vshra.s32 v27, $0x17;
	v9 =	vadd.f32 v10, v9  }
0xee: {  	v15 =	vshra.s32 v21, $0x17;
	v2 =	vadd.s32 v13, v2;
	v4 =	vadd.s32 v4, v14  }
0xef: {  	s28 =	sadd.s32 $0x80, s28;
	s29 =	sadd.s32 $0x80, s29;
	v3 =	vadd.s32 v15, v3;
	v4 =	vadd.s32 v62, v4;
	v0 =	vadd.f32 v9, v0  }
.Ltmp6:
0xf0: {  	(pc) =	sbr.rel @p0 .LBB2_12-.Ltmp6, $1  }
0xf1: {  	_ =	sdelay $0x3  }
0xf2: {  	s25 =	sadd.s32 s25, s11  }
0xf3: {  	s25 =	sshll.u32 s25, $0xE  }
0xf4: {  	s25 =	sadd.s32 s5, s25  }
.Ltmp7:
0xf5: {  	s25 =	sshrl.u32 s25, $0x3;
	(pc) =	sbr.rel .LBB2_2-.Ltmp7, $4  }
0xf6: {  	s26 =	sadd.s32 s0, s25  }
0xf7: {  	[tilespmem:s15], [sflag:$0x2] =	stream.linear.gather [hbm4b:s26+s4], $0x4000, $0x38;
	[tilespmem:$0x10080] =	vst v63  }
0xf8: {  	s24 =	sadd.s32 $0x1, s24;
	s25 =	sadd.s32 s3, s25  }
0xf9: {  	[tilespmem:s16], [sflag:$0x4] =	stream.linear.gather [hbm4b:s25+s4], $0x4000, $0x38;
	[tilespmem:$0x10080] =	vst v63  }
.LBB2_13:
0xfa: {  	_ =	sfence.sel $0x180000  }
0xfb: {  	[bflag:$0x0] =	sbarrier.arrive $0xFFFF  }
0xfc: {  	p0 =	sne.s32 s2, $0x0;
	_ =	strace $0x90000047  }
0xfd: {  	s0 =	sadd.s32 @!p0 $0x100000, s1;
	[bflag:$0x2] =	sbarrier.arrive $0xFFFF  }
0xfe: {  	[sflag:s0] =	ssyncadd.tile.s32 @!p0 $0x1;
	_ =	shalt  }
.Lfunc_end2:
_tile_overlayer_lowered:
.L_overlay_start_2:
0xff: {  	(tag) =	ssettag $0x2  }
0x100: {  	s0 =	rddreg [dreg:$0x0];
	s2 =	stileid.u32  }
0x101: {  	s1 =	rddreg [dreg:$0x1];
	p0 =	sne.s32 s2, $0x0  }
0x102: {  	s3 =	rddreg [dreg:$0x2];
	[bflag:$0x3] =	sbarrier.arrive $0xFFFF;
	s2 =	simm.s32 @!p0 $0x1C05  }
0x103: {  	[timem:s3], [sflag:s2] =	dma.local @!p0 [hbm:s0], s1  }
0x104: {  	s0 =	simm.s32 @!p0 $0x5  }
0x105: {  	_ =	swait.ge @!p0 [sflag:s0], s1  }
0x106: {  	s1 =	ssub.s32 @!p0 $0x0, s1;
	[sflag:s0] =	ssyncset.done @!p0 $0x0  }
0x107: {  	[sflag:s0] =	ssyncadd.s32 @!p0 s1  }
0x108: {  	[bflag:$0x3] =	sbarrier.arrive $0xFFFF  }
0x109: {  	_ =	shalt  }

</sc_bundles>
